<compile_context>
chip_gen: v7x
topology: tpu7x:2x2x1
jax: 0.10.2.dev20260603
libtpu: 0.0.44.dev20260713+nightly
codegen_flags: <defaults>
</compile_context>

<pallas_src>
import functools

import jax
import jax.numpy as jnp
from jax import lax
from jax.experimental import pallas as pl
from jax.experimental.pallas import tpu as pltpu
from jax.experimental.pallas import tpu_sc as plsc

N = 10000
E = 320000
D = 128
NTILES = 16
NWORKERS = 32
CHUNK = 40
EPT = E // NWORKERS
NCHUNK = EPT // CHUNK
ROWS_PER_TILE = N // NTILES
RING = 5
LOOKAHEAD = 4


def _sc_segment_sum(feature, edge_index):
    mesh = plsc.VectorSubcoreMesh(core_axis_name="c", subcore_axis_name="s")

    @functools.partial(
        pl.kernel,
        mesh=mesh,
        compiler_params=pltpu.CompilerParams(use_tc_tiling_on_sc=False),
        out_type=jax.ShapeDtypeStruct((2, N, D), jnp.float32),
        scratch_types=[
            pltpu.VMEM_SHARED((N, D), jnp.float32),
            pltpu.VMEM((EPT,), jnp.int32),
            pltpu.VMEM((EPT,), jnp.int32),
            [pltpu.VMEM((CHUNK, D), jnp.float32)] * RING,
            [pltpu.SemaphoreType.DMA] * RING,
            [pltpu.SemaphoreType.DMA] * RING,
        ],
    )
    def k(feat_hbm, edge_hbm, out_hbm, acc_sh, src_v, dst_v, bufs, sg, ss):
        cid = lax.axis_index("c")
        sid = lax.axis_index("s")
        r0 = sid * ROWS_PER_TILE
        e0 = (cid * NTILES + sid) * EPT
        st0 = pltpu.async_copy(feat_hbm.at[pl.ds(r0, ROWS_PER_TILE)],
                               acc_sh.at[pl.ds(r0, ROWS_PER_TILE)], sg[0])
        st1 = pltpu.async_copy(edge_hbm.at[0, pl.ds(e0, EPT)], src_v, sg[1])
        st2 = pltpu.async_copy(edge_hbm.at[1, pl.ds(e0, EPT)], dst_v, sg[2])
        st0.wait()
        st1.wait()
        st2.wait()
        plsc.subcore_barrier()

        def sidx(j):
            return src_v.at[pl.ds(j * CHUNK, CHUNK)]

        def didx(j):
            return dst_v.at[pl.ds(j * CHUNK, CHUNK)]

        for m in range(LOOKAHEAD):
            pltpu.async_copy(feat_hbm.at[sidx(m)], bufs[m], sg[m])

        def body(k2, carry):
            for i in range(RING):
                j = RING * k2 + i
                pltpu.make_async_copy(feat_hbm.at[sidx(j)], bufs[i],
                                      sg[i]).wait()
                pltpu.async_copy(bufs[i], acc_sh.at[didx(j)], ss[i],
                                 add=True)
                m = (i + LOOKAHEAD) % RING

                def drain_prev_scatter():
                    pltpu.make_async_copy(bufs[m], acc_sh.at[didx(0)],
                                          ss[m]).wait()

                if i >= RING - LOOKAHEAD:
                    drain_prev_scatter()
                else:
                    pl.when(k2 > 0)(drain_prev_scatter)
                jn = jnp.minimum(j + LOOKAHEAD, NCHUNK - 1)
                pltpu.async_copy(feat_hbm.at[sidx(jn)], bufs[m], sg[m])
            return carry

        lax.fori_loop(0, NCHUNK // RING, body, 0)
        for m in range(LOOKAHEAD):
            pltpu.make_async_copy(feat_hbm.at[sidx(NCHUNK - 1)], bufs[m],
                                  sg[m]).wait()
        for m in range(LOOKAHEAD, RING):
            pltpu.make_async_copy(bufs[m], acc_sh.at[didx(0)],
                                  ss[m]).wait()
        plsc.subcore_barrier()
        pltpu.sync_copy(acc_sh.at[pl.ds(r0, ROWS_PER_TILE)],
                        out_hbm.at[cid, pl.ds(r0, ROWS_PER_TILE)])

    return k(feature, edge_index)


def _tc_mlp_bn(partials, feature, eps, W1, b1, W2, gamma, beta):
    def body(eps_ref, p_ref, x_ref, w1_ref, b1_ref, w2_ref,
             g_ref, bt_ref, o_ref):
        y = p_ref[0] + p_ref[1] + (eps_ref[0] - 1.0) * x_ref[...]
        h = jnp.dot(y, w1_ref[...], preferred_element_type=jnp.float32)
        h = jnp.maximum(h + b1_ref[...], 0.0)
        h = jnp.dot(h, w2_ref[...], preferred_element_type=jnp.float32)
        mean = jnp.mean(h, axis=0, keepdims=True)
        d = h - mean
        var = jnp.mean(d * d, axis=0, keepdims=True)
        h = d * lax.rsqrt(var + 1e-5) * g_ref[...] + bt_ref[...]
        o_ref[...] = jnp.maximum(h, 0.0)

    vspec = pl.BlockSpec(memory_space=pltpu.VMEM)
    return pl.pallas_call(
        body,
        out_shape=jax.ShapeDtypeStruct((N, D), jnp.float32),
        in_specs=[pl.BlockSpec(memory_space=pltpu.SMEM)] + [vspec] * 7,
        out_specs=vspec,
    )(eps, partials, feature, W1, b1.reshape(1, D), W2,
      gamma.reshape(1, D), beta.reshape(1, D))


def kernel(feature, edge_index, eps, W1, b1, W2, b2, gamma, beta):
    del b2
    partials = _sc_segment_sum(feature, edge_index)
    return _tc_mlp_bn(partials, feature, eps, W1, b1, W2, gamma, beta)

# --- scband reference (transcript-rebuilt; emitter-appended) ---
"""Pipeline reference for scband-ginlayer-81844896792885 (READ-ONLY COPY).

The authoritative reference and input builder live on the scoring server;
editing this copy changes nothing except your own understanding.
"""

import jax, jax.numpy as jnp
import numpy as np

N_NODES = 10000
N_EDGES = 320000
D = 128


def setup_inputs(seed: int = 0) -> dict:
    key = jax.random.key(seed)
    ks = jax.random.split(key, 8)
    x = jax.random.normal(ks[0], (N_NODES, D), dtype=jnp.float32)
    edge_index = jax.random.randint(ks[1], (2, N_EDGES), 0, N_NODES, dtype=jnp.int32)
    # GIN epsilon parameter (per-layer tensor, layer=0, learn_eps=True)
    eps = jnp.zeros((1,), dtype=jnp.float32)
    # 2-layer MLP params: 128 -> 128 -> 128
    W1 = jax.random.normal(ks[2], (D, D), dtype=jnp.float32) * (1.0 / np.sqrt(D))
    b1 = jnp.zeros((D,), dtype=jnp.float32)
    W2 = jax.random.normal(ks[3], (D, D), dtype=jnp.float32) * (1.0 / np.sqrt(D))
    b2 = jnp.zeros((D,), dtype=jnp.float32)
    # BatchNorm1d affine params (applied after MLP inside ApplyNodes)
    gamma = jnp.ones((D,), dtype=jnp.float32)
    beta = jnp.zeros((D,), dtype=jnp.float32)
    return {"feature": x, "edge_index": edge_index, "eps": eps,
            "W1": W1, "b1": b1, "W2": W2, "b2": b2,
            "gamma": gamma, "beta": beta}


def reference(feature, edge_index, eps, W1, b1, W2, b2, gamma, beta):
    # DGL update_all(copy_src, sum): h_dst = sum over incoming edges of h_src
    src = edge_index[0]
    dst = edge_index[1]
    msgs = jnp.take(feature, src, axis=0)                 # gather (SparseCore)
    pooled = jax.ops.segment_sum(msgs, dst, num_segments=feature.shape[0])  # scatter-add
    # learn_eps=True, layer=0: pooled = pooled + (1 + eps[layer]) * h
    pooled = pooled + (1.0 + eps[0]) * feature
    # ApplyNodes: MLP (Linear -> ReLU -> Linear), then BatchNorm1d (training mode), then ReLU
    h = pooled @ W1 + b1
    h = jax.nn.relu(h)
    h = h @ W2 + b2
    mean = jnp.mean(h, axis=0)
    var = jnp.var(h, axis=0)
    h = (h - mean) / jnp.sqrt(var + 1e-5) * gamma + beta
    h = jax.nn.relu(h)
    return h

if __name__ == "__main__":
    import jax
    _d = setup_inputs()
    print(jax.jit(kernel)(*tuple(_d.values())))

</pallas_src>

<mosaic_0001>
#map = affine_map<(d0, d1) -> (0, 0)>
#map1 = affine_map<(d0, d1) -> (0, 0, 0)>
module attributes {stable_mosaic.version = 14 : i64} {
  func.func @k(%arg0: i32, %arg1: i32, %arg2: memref<10000x128xf32, #tpu.memory_space<hbm>>, %arg3: memref<2x320000xi32, #tpu.memory_space<hbm>>, %arg4: memref<2x10000x128xf32, #tpu.memory_space<hbm>>, %arg5: memref<10000x128xf32, #tpu.memory_space<vmem_shared>>, %arg6: memref<10000xi32, #tpu.memory_space<vmem>>, %arg7: memref<10000xi32, #tpu.memory_space<vmem>>, %arg8: memref<40x128xf32, #tpu.memory_space<vmem>>, %arg9: memref<40x128xf32, #tpu.memory_space<vmem>>, %arg10: memref<40x128xf32, #tpu.memory_space<vmem>>, %arg11: memref<40x128xf32, #tpu.memory_space<vmem>>, %arg12: memref<40x128xf32, #tpu.memory_space<vmem>>, %arg13: memref<!tpu.dma_semaphore, #tpu.memory_space<semaphore_mem>>, %arg14: memref<!tpu.dma_semaphore, #tpu.memory_space<semaphore_mem>>, %arg15: memref<!tpu.dma_semaphore, #tpu.memory_space<semaphore_mem>>, %arg16: memref<!tpu.dma_semaphore, #tpu.memory_space<semaphore_mem>>, %arg17: memref<!tpu.dma_semaphore, #tpu.memory_space<semaphore_mem>>, %arg18: memref<!tpu.dma_semaphore, #tpu.memory_space<semaphore_mem>>, %arg19: memref<!tpu.dma_semaphore, #tpu.memory_space<semaphore_mem>>, %arg20: memref<!tpu.dma_semaphore, #tpu.memory_space<semaphore_mem>>, %arg21: memref<!tpu.dma_semaphore, #tpu.memory_space<semaphore_mem>>, %arg22: memref<!tpu.dma_semaphore, #tpu.memory_space<semaphore_mem>>) attributes {dimension_semantics = [#tpu.dimension_semantics<core_parallel>, #tpu.dimension_semantics<subcore_parallel>], iteration_bounds = array<i64: 2, 16>, scalar_prefetch = 0 : i64, scratch_operands = 18 : i64, tpu.core_type = #tpu.core_type<sc_vector_subcore>, window_params = [{transform_indices = #map}, {transform_indices = #map}, {transform_indices = #map1}]} {
    %mul3A = arith.constant 625 : i32
    %mul3A_0 = arith.muli %arg1, %mul3A : i32
    %mul3A_1 = arith.constant 16 : i32
    %mul3A_2 = arith.muli %arg0, %mul3A_1 : i32
    %add3A = arith.addi %mul3A_2, %arg1 : i32
    %mul3A_3 = arith.constant 10000 : i32
    %mul3A_4 = arith.muli %add3A, %mul3A_3 : i32
    %dma_start3A = arith.constant 0 : i32
    %dma_start3A_5 = tpu.memref_slice %arg5[%mul3A_0, %dma_start3A] : memref<10000x128xf32, #tpu.memory_space<vmem_shared>> -> memref<625x128xf32, #tpu.memory_space<vmem_shared>>
    %dma_start3A_6 = arith.constant 0 : i32
    %dma_start3A_7 = tpu.memref_slice %arg2[%mul3A_0, %dma_start3A_6] : memref<10000x128xf32, #tpu.memory_space<hbm>> -> memref<625x128xf32, #tpu.memory_space<hbm>>
    tpu.enqueue_dma source(%dma_start3A_7 : memref<625x128xf32, #tpu.memory_space<hbm>>) target(%dma_start3A_5 : memref<625x128xf32, #tpu.memory_space<vmem_shared>>) target_semaphore(%arg13 : memref<!tpu.dma_semaphore, #tpu.memory_space<semaphore_mem>>)
    %dma_start3A_8 = arith.constant 0 : i32
    %dma_start3A_9 = tpu.memref_slice %arg3[%dma_start3A_8, %mul3A_4] : memref<2x320000xi32, #tpu.memory_space<hbm>> -> memref<1x10000xi32, #tpu.memory_space<hbm>>
    %dma_start3A_10 = tpu.memref_squeeze %dma_start3A_9 : memref<1x10000xi32, #tpu.memory_space<hbm>> -> memref<10000xi32, #tpu.memory_space<hbm>>
    %dma_start3A_11 = tpu.memref_slice %arg3[%dma_start3A_8, %mul3A_4] : memref<2x320000xi32, #tpu.memory_space<hbm>> -> memref<1x10000xi32, #tpu.memory_space<hbm>>
    %dma_start3A_12 = tpu.memref_squeeze %dma_start3A_11 : memref<1x10000xi32, #tpu.memory_space<hbm>> -> memref<10000xi32, #tpu.memory_space<hbm>>
    tpu.enqueue_dma source(%dma_start3A_12 : memref<10000xi32, #tpu.memory_space<hbm>>) target(%arg6 : memref<10000xi32, #tpu.memory_space<vmem>>) target_semaphore(%arg14 : memref<!tpu.dma_semaphore, #tpu.memory_space<semaphore_mem>>)
    %dma_start3A_13 = arith.constant 1 : i32
    %dma_start3A_14 = tpu.memref_slice %arg3[%dma_start3A_13, %mul3A_4] : memref<2x320000xi32, #tpu.memory_space<hbm>> -> memref<1x10000xi32, #tpu.memory_space<hbm>>
    %dma_start3A_15 = tpu.memref_squeeze %dma_start3A_14 : memref<1x10000xi32, #tpu.memory_space<hbm>> -> memref<10000xi32, #tpu.memory_space<hbm>>
    %dma_start3A_16 = tpu.memref_slice %arg3[%dma_start3A_13, %mul3A_4] : memref<2x320000xi32, #tpu.memory_space<hbm>> -> memref<1x10000xi32, #tpu.memory_space<hbm>>
    %dma_start3A_17 = tpu.memref_squeeze %dma_start3A_16 : memref<1x10000xi32, #tpu.memory_space<hbm>> -> memref<10000xi32, #tpu.memory_space<hbm>>
    tpu.enqueue_dma source(%dma_start3A_17 : memref<10000xi32, #tpu.memory_space<hbm>>) target(%arg7 : memref<10000xi32, #tpu.memory_space<vmem>>) target_semaphore(%arg15 : memref<!tpu.dma_semaphore, #tpu.memory_space<semaphore_mem>>)
    %dma_wait3A = arith.constant 0 : i32
    %dma_wait3A_18 = tpu.memref_slice %arg5[%mul3A_0, %dma_wait3A] : memref<10000x128xf32, #tpu.memory_space<vmem_shared>> -> memref<625x128xf32, #tpu.memory_space<vmem_shared>>
    %dma_wait3A_19 = arith.constant 0 : i32
    %dma_wait3A_20 = tpu.memref_slice %arg2[%mul3A_0, %dma_wait3A_19] : memref<10000x128xf32, #tpu.memory_space<hbm>> -> memref<625x128xf32, #tpu.memory_space<hbm>>
    tpu.wait_dma2 semaphore(%arg13 : memref<!tpu.dma_semaphore, #tpu.memory_space<semaphore_mem>>) src(%dma_wait3A_20 : memref<625x128xf32, #tpu.memory_space<hbm>>) dst(%dma_wait3A_18 : memref<625x128xf32, #tpu.memory_space<vmem_shared>>)
    %dma_wait3A_21 = arith.constant 0 : i32
    %dma_wait3A_22 = tpu.memref_slice %arg3[%dma_wait3A_21, %mul3A_4] : memref<2x320000xi32, #tpu.memory_space<hbm>> -> memref<1x10000xi32, #tpu.memory_space<hbm>>
    %dma_wait3A_23 = tpu.memref_squeeze %dma_wait3A_22 : memref<1x10000xi32, #tpu.memory_space<hbm>> -> memref<10000xi32, #tpu.memory_space<hbm>>
    %dma_wait3A_24 = tpu.memref_slice %arg3[%dma_wait3A_21, %mul3A_4] : memref<2x320000xi32, #tpu.memory_space<hbm>> -> memref<1x10000xi32, #tpu.memory_space<hbm>>
    %dma_wait3A_25 = tpu.memref_squeeze %dma_wait3A_24 : memref<1x10000xi32, #tpu.memory_space<hbm>> -> memref<10000xi32, #tpu.memory_space<hbm>>
    tpu.wait_dma2 semaphore(%arg14 : memref<!tpu.dma_semaphore, #tpu.memory_space<semaphore_mem>>) src(%dma_wait3A_25 : memref<10000xi32, #tpu.memory_space<hbm>>) dst(%arg6 : memref<10000xi32, #tpu.memory_space<vmem>>)
    %dma_wait3A_26 = arith.constant 1 : i32
    %dma_wait3A_27 = tpu.memref_slice %arg3[%dma_wait3A_26, %mul3A_4] : memref<2x320000xi32, #tpu.memory_space<hbm>> -> memref<1x10000xi32, #tpu.memory_space<hbm>>
    %dma_wait3A_28 = tpu.memref_squeeze %dma_wait3A_27 : memref<1x10000xi32, #tpu.memory_space<hbm>> -> memref<10000xi32, #tpu.memory_space<hbm>>
    %dma_wait3A_29 = tpu.memref_slice %arg3[%dma_wait3A_26, %mul3A_4] : memref<2x320000xi32, #tpu.memory_space<hbm>> -> memref<1x10000xi32, #tpu.memory_space<hbm>>
    %dma_wait3A_30 = tpu.memref_squeeze %dma_wait3A_29 : memref<1x10000xi32, #tpu.memory_space<hbm>> -> memref<10000xi32, #tpu.memory_space<hbm>>
    tpu.wait_dma2 semaphore(%arg15 : memref<!tpu.dma_semaphore, #tpu.memory_space<semaphore_mem>>) src(%dma_wait3A_30 : memref<10000xi32, #tpu.memory_space<hbm>>) dst(%arg7 : memref<10000xi32, #tpu.memory_space<vmem>>)
    %barrier3A = arith.constant 0 : index
    tpu.barrier barrier_id(%barrier3A)
    %dma_start3A_31 = arith.constant 0 : i32
    %dma_start3A_32 = tpu.memref_slice %arg6[%dma_start3A_31] : memref<10000xi32, #tpu.memory_space<vmem>> -> memref<40xi32, #tpu.memory_space<vmem>>
    %dma_start3A_33 = arith.constant 0 : i32
    %dma_start3A_34 = arith.constant 0 : i32
    %dma_start3A_35 = tpu.memref_slice %arg2[%dma_start3A_33, %dma_start3A_34] : memref<10000x128xf32, #tpu.memory_space<hbm>> -> memref<10000x128xf32, #tpu.memory_space<hbm>>
    tpu.enqueue_indirect_dma source(%dma_start3A_35 : memref<10000x128xf32, #tpu.memory_space<hbm>>) target(%arg8 : memref<40x128xf32, #tpu.memory_space<vmem>>) offsets(%dma_start3A_32 : memref<40xi32, #tpu.memory_space<vmem>>) semaphore(%arg13 : memref<!tpu.dma_semaphore, #tpu.memory_space<semaphore_mem>>)
    %dma_start3A_36 = arith.constant 40 : i32
    %dma_start3A_37 = tpu.memref_slice %arg6[%dma_start3A_36] : memref<10000xi32, #tpu.memory_space<vmem>> -> memref<40xi32, #tpu.memory_space<vmem>>
    %dma_start3A_38 = arith.constant 0 : i32
    %dma_start3A_39 = arith.constant 0 : i32
    %dma_start3A_40 = tpu.memref_slice %arg2[%dma_start3A_38, %dma_start3A_39] : memref<10000x128xf32, #tpu.memory_space<hbm>> -> memref<10000x128xf32, #tpu.memory_space<hbm>>
    tpu.enqueue_indirect_dma source(%dma_start3A_40 : memref<10000x128xf32, #tpu.memory_space<hbm>>) target(%arg9 : memref<40x128xf32, #tpu.memory_space<vmem>>) offsets(%dma_start3A_37 : memref<40xi32, #tpu.memory_space<vmem>>) semaphore(%arg14 : memref<!tpu.dma_semaphore, #tpu.memory_space<semaphore_mem>>)
    %dma_start3A_41 = arith.constant 80 : i32
    %dma_start3A_42 = tpu.memref_slice %arg6[%dma_start3A_41] : memref<10000xi32, #tpu.memory_space<vmem>> -> memref<40xi32, #tpu.memory_space<vmem>>
    %dma_start3A_43 = arith.constant 0 : i32
    %dma_start3A_44 = arith.constant 0 : i32
    %dma_start3A_45 = tpu.memref_slice %arg2[%dma_start3A_43, %dma_start3A_44] : memref<10000x128xf32, #tpu.memory_space<hbm>> -> memref<10000x128xf32, #tpu.memory_space<hbm>>
    tpu.enqueue_indirect_dma source(%dma_start3A_45 : memref<10000x128xf32, #tpu.memory_space<hbm>>) target(%arg10 : memref<40x128xf32, #tpu.memory_space<vmem>>) offsets(%dma_start3A_42 : memref<40xi32, #tpu.memory_space<vmem>>) semaphore(%arg15 : memref<!tpu.dma_semaphore, #tpu.memory_space<semaphore_mem>>)
    %dma_start3A_46 = arith.constant 120 : i32
    %dma_start3A_47 = tpu.memref_slice %arg6[%dma_start3A_46] : memref<10000xi32, #tpu.memory_space<vmem>> -> memref<40xi32, #tpu.memory_space<vmem>>
    %dma_start3A_48 = arith.constant 0 : i32
    %dma_start3A_49 = arith.constant 0 : i32
    %dma_start3A_50 = tpu.memref_slice %arg2[%dma_start3A_48, %dma_start3A_49] : memref<10000x128xf32, #tpu.memory_space<hbm>> -> memref<10000x128xf32, #tpu.memory_space<hbm>>
    tpu.enqueue_indirect_dma source(%dma_start3A_50 : memref<10000x128xf32, #tpu.memory_space<hbm>>) target(%arg11 : memref<40x128xf32, #tpu.memory_space<vmem>>) offsets(%dma_start3A_47 : memref<40xi32, #tpu.memory_space<vmem>>) semaphore(%arg16 : memref<!tpu.dma_semaphore, #tpu.memory_space<semaphore_mem>>)
    %scan3A = arith.constant 0 : i32
    %scan3A_51 = arith.constant 0 : i32
    %scan3A_52 = arith.constant 50 : i32
    %scan3A_53 = arith.addi %scan3A_51, %scan3A_52 : i32
    %scan3A_54 = arith.constant 1 : i32
    scf.for %scan3A_82 = %scan3A_51 to %scan3A_53 step %scan3A_54  : i32 {
      %mul3A_83 = arith.constant 5 : i32
      %mul3A_84 = arith.muli %mul3A_83, %scan3A_82 : i32
      %add3A_85 = arith.constant 0 : i32
      %add3A_86 = arith.addi %mul3A_84, %add3A_85 : i32
      %mul3A_87 = arith.constant 40 : i32
      %mul3A_88 = arith.muli %add3A_86, %mul3A_87 : i32
      %dma_wait3A_89 = tpu.memref_slice %arg6[%mul3A_88] : memref<10000xi32, #tpu.memory_space<vmem>> -> memref<40xi32, #tpu.memory_space<vmem>>
      %dma_wait3A_90 = arith.constant 0 : i32
      %dma_wait3A_91 = arith.constant 0 : i32
      %dma_wait3A_92 = tpu.memref_slice %arg2[%dma_wait3A_90, %dma_wait3A_91] : memref<10000x128xf32, #tpu.memory_space<hbm>> -> memref<10000x128xf32, #tpu.memory_space<hbm>>
      tpu.wait_indirect_dma semaphore(%arg13 : memref<!tpu.dma_semaphore, #tpu.memory_space<semaphore_mem>>) src(%dma_wait3A_92 : memref<10000x128xf32, #tpu.memory_space<hbm>>) dst(%arg8 : memref<40x128xf32, #tpu.memory_space<vmem>>)
      %mul3A_93 = arith.constant 40 : i32
      %mul3A_94 = arith.muli %add3A_86, %mul3A_93 : i32
      %dma_start3A_95 = tpu.memref_slice %arg7[%mul3A_94] : memref<10000xi32, #tpu.memory_space<vmem>> -> memref<40xi32, #tpu.memory_space<vmem>>
      %dma_start3A_96 = arith.constant 0 : i32
      %dma_start3A_97 = arith.constant 0 : i32
      %dma_start3A_98 = tpu.memref_slice %arg5[%dma_start3A_96, %dma_start3A_97] : memref<10000x128xf32, #tpu.memory_space<vmem_shared>> -> memref<10000x128xf32, #tpu.memory_space<vmem_shared>>
      tpu.enqueue_indirect_dma source(%arg8 : memref<40x128xf32, #tpu.memory_space<vmem>>) target(%dma_start3A_98 : memref<10000x128xf32, #tpu.memory_space<vmem_shared>>) offsets(%dma_start3A_95 : memref<40xi32, #tpu.memory_space<vmem>>) semaphore(%arg18 : memref<!tpu.dma_semaphore, #tpu.memory_space<semaphore_mem>>) {add = true}
      %gt3A = arith.constant 0 : i32
      %gt3A_99 = arith.cmpi sgt, %scan3A_82, %gt3A : i32
      %convert_element_type3A = arith.extui %gt3A_99 : i1 to i32
      %cond3A = arith.constant 0 : i32
      %cond3A_100 = arith.cmpi ne, %convert_element_type3A, %cond3A : i32
      scf.if %cond3A_100 {
        %dma_wait3A_234 = arith.constant 0 : i32
        %dma_wait3A_235 = tpu.memref_slice %arg7[%dma_wait3A_234] : memref<10000xi32, #tpu.memory_space<vmem>> -> memref<40xi32, #tpu.memory_space<vmem>>
        %dma_wait3A_236 = arith.constant 0 : i32
        %dma_wait3A_237 = arith.constant 0 : i32
        %dma_wait3A_238 = tpu.memref_slice %arg5[%dma_wait3A_236, %dma_wait3A_237] : memref<10000x128xf32, #tpu.memory_space<vmem_shared>> -> memref<10000x128xf32, #tpu.memory_space<vmem_shared>>
        tpu.wait_indirect_dma semaphore(%arg22 : memref<!tpu.dma_semaphore, #tpu.memory_space<semaphore_mem>>) src(%arg12 : memref<40x128xf32, #tpu.memory_space<vmem>>) dst(%dma_wait3A_238 : memref<10000x128xf32, #tpu.memory_space<vmem_shared>>)
      } else {
      }
      %add3A_101 = arith.constant 4 : i32
      %add3A_102 = arith.addi %add3A_86, %add3A_101 : i32
      %min3A = arith.constant 249 : i32
      %min3A_103 = arith.minsi %add3A_102, %min3A : i32
      %mul3A_104 = arith.constant 40 : i32
      %mul3A_105 = arith.muli %min3A_103, %mul3A_104 : i32
      %dma_start3A_106 = tpu.memref_slice %arg6[%mul3A_105] : memref<10000xi32, #tpu.memory_space<vmem>> -> memref<40xi32, #tpu.memory_space<vmem>>
      %dma_start3A_107 = arith.constant 0 : i32
      %dma_start3A_108 = arith.constant 0 : i32
      %dma_start3A_109 = tpu.memref_slice %arg2[%dma_start3A_107, %dma_start3A_108] : memref<10000x128xf32, #tpu.memory_space<hbm>> -> memref<10000x128xf32, #tpu.memory_space<hbm>>
      tpu.enqueue_indirect_dma source(%dma_start3A_109 : memref<10000x128xf32, #tpu.memory_space<hbm>>) target(%arg12 : memref<40x128xf32, #tpu.memory_space<vmem>>) offsets(%dma_start3A_106 : memref<40xi32, #tpu.memory_space<vmem>>) semaphore(%arg17 : memref<!tpu.dma_semaphore, #tpu.memory_space<semaphore_mem>>)
      %mul3A_110 = arith.constant 5 : i32
      %mul3A_111 = arith.muli %mul3A_110, %scan3A_82 : i32
      %add3A_112 = arith.constant 1 : i32
      %add3A_113 = arith.addi %mul3A_111, %add3A_112 : i32
      %mul3A_114 = arith.constant 40 : i32
      %mul3A_115 = arith.muli %add3A_113, %mul3A_114 : i32
      %dma_wait3A_116 = tpu.memref_slice %arg6[%mul3A_115] : memref<10000xi32, #tpu.memory_space<vmem>> -> memref<40xi32, #tpu.memory_space<vmem>>
      %dma_wait3A_117 = arith.constant 0 : i32
      %dma_wait3A_118 = arith.constant 0 : i32
      %dma_wait3A_119 = tpu.memref_slice %arg2[%dma_wait3A_117, %dma_wait3A_118] : memref<10000x128xf32, #tpu.memory_space<hbm>> -> memref<10000x128xf32, #tpu.memory_space<hbm>>
      tpu.wait_indirect_dma semaphore(%arg14 : memref<!tpu.dma_semaphore, #tpu.memory_space<semaphore_mem>>) src(%dma_wait3A_119 : memref<10000x128xf32, #tpu.memory_space<hbm>>) dst(%arg9 : memref<40x128xf32, #tpu.memory_space<vmem>>)
      %mul3A_120 = arith.constant 40 : i32
      %mul3A_121 = arith.muli %add3A_113, %mul3A_120 : i32
      %dma_start3A_122 = tpu.memref_slice %arg7[%mul3A_121] : memref<10000xi32, #tpu.memory_space<vmem>> -> memref<40xi32, #tpu.memory_space<vmem>>
      %dma_start3A_123 = arith.constant 0 : i32
      %dma_start3A_124 = arith.constant 0 : i32
      %dma_start3A_125 = tpu.memref_slice %arg5[%dma_start3A_123, %dma_start3A_124] : memref<10000x128xf32, #tpu.memory_space<vmem_shared>> -> memref<10000x128xf32, #tpu.memory_space<vmem_shared>>
      tpu.enqueue_indirect_dma source(%arg9 : memref<40x128xf32, #tpu.memory_space<vmem>>) target(%dma_start3A_125 : memref<10000x128xf32, #tpu.memory_space<vmem_shared>>) offsets(%dma_start3A_122 : memref<40xi32, #tpu.memory_space<vmem>>) semaphore(%arg19 : memref<!tpu.dma_semaphore, #tpu.memory_space<semaphore_mem>>) {add = true}
      %dma_wait3A_126 = arith.constant 0 : i32
      %dma_wait3A_127 = tpu.memref_slice %arg7[%dma_wait3A_126] : memref<10000xi32, #tpu.memory_space<vmem>> -> memref<40xi32, #tpu.memory_space<vmem>>
      %dma_wait3A_128 = arith.constant 0 : i32
      %dma_wait3A_129 = arith.constant 0 : i32
      %dma_wait3A_130 = tpu.memref_slice %arg5[%dma_wait3A_128, %dma_wait3A_129] : memref<10000x128xf32, #tpu.memory_space<vmem_shared>> -> memref<10000x128xf32, #tpu.memory_space<vmem_shared>>
      tpu.wait_indirect_dma semaphore(%arg18 : memref<!tpu.dma_semaphore, #tpu.memory_space<semaphore_mem>>) src(%arg8 : memref<40x128xf32, #tpu.memory_space<vmem>>) dst(%dma_wait3A_130 : memref<10000x128xf32, #tpu.memory_space<vmem_shared>>)
      %add3A_131 = arith.constant 4 : i32
      %add3A_132 = arith.addi %add3A_113, %add3A_131 : i32
      %min3A_133 = arith.constant 249 : i32
      %min3A_134 = arith.minsi %add3A_132, %min3A_133 : i32
      %mul3A_135 = arith.constant 40 : i32
      %mul3A_136 = arith.muli %min3A_134, %mul3A_135 : i32
      %dma_start3A_137 = tpu.memref_slice %arg6[%mul3A_136] : memref<10000xi32, #tpu.memory_space<vmem>> -> memref<40xi32, #tpu.memory_space<vmem>>
      %dma_start3A_138 = arith.constant 0 : i32
      %dma_start3A_139 = arith.constant 0 : i32
      %dma_start3A_140 = tpu.memref_slice %arg2[%dma_start3A_138, %dma_start3A_139] : memref<10000x128xf32, #tpu.memory_space<hbm>> -> memref<10000x128xf32, #tpu.memory_space<hbm>>
      tpu.enqueue_indirect_dma source(%dma_start3A_140 : memref<10000x128xf32, #tpu.memory_space<hbm>>) target(%arg8 : memref<40x128xf32, #tpu.memory_space<vmem>>) offsets(%dma_start3A_137 : memref<40xi32, #tpu.memory_space<vmem>>) semaphore(%arg13 : memref<!tpu.dma_semaphore, #tpu.memory_space<semaphore_mem>>)
      %mul3A_141 = arith.constant 5 : i32
      %mul3A_142 = arith.muli %mul3A_141, %scan3A_82 : i32
      %add3A_143 = arith.constant 2 : i32
      %add3A_144 = arith.addi %mul3A_142, %add3A_143 : i32
      %mul3A_145 = arith.constant 40 : i32
      %mul3A_146 = arith.muli %add3A_144, %mul3A_145 : i32
      %dma_wait3A_147 = tpu.memref_slice %arg6[%mul3A_146] : memref<10000xi32, #tpu.memory_space<vmem>> -> memref<40xi32, #tpu.memory_space<vmem>>
      %dma_wait3A_148 = arith.constant 0 : i32
      %dma_wait3A_149 = arith.constant 0 : i32
      %dma_wait3A_150 = tpu.memref_slice %arg2[%dma_wait3A_148, %dma_wait3A_149] : memref<10000x128xf32, #tpu.memory_space<hbm>> -> memref<10000x128xf32, #tpu.memory_space<hbm>>
      tpu.wait_indirect_dma semaphore(%arg15 : memref<!tpu.dma_semaphore, #tpu.memory_space<semaphore_mem>>) src(%dma_wait3A_150 : memref<10000x128xf32, #tpu.memory_space<hbm>>) dst(%arg10 : memref<40x128xf32, #tpu.memory_space<vmem>>)
      %mul3A_151 = arith.constant 40 : i32
      %mul3A_152 = arith.muli %add3A_144, %mul3A_151 : i32
      %dma_start3A_153 = tpu.memref_slice %arg7[%mul3A_152] : memref<10000xi32, #tpu.memory_space<vmem>> -> memref<40xi32, #tpu.memory_space<vmem>>
      %dma_start3A_154 = arith.constant 0 : i32
      %dma_start3A_155 = arith.constant 0 : i32
      %dma_start3A_156 = tpu.memref_slice %arg5[%dma_start3A_154, %dma_start3A_155] : memref<10000x128xf32, #tpu.memory_space<vmem_shared>> -> memref<10000x128xf32, #tpu.memory_space<vmem_shared>>
      tpu.enqueue_indirect_dma source(%arg10 : memref<40x128xf32, #tpu.memory_space<vmem>>) target(%dma_start3A_156 : memref<10000x128xf32, #tpu.memory_space<vmem_shared>>) offsets(%dma_start3A_153 : memref<40xi32, #tpu.memory_space<vmem>>) semaphore(%arg20 : memref<!tpu.dma_semaphore, #tpu.memory_space<semaphore_mem>>) {add = true}
      %dma_wait3A_157 = arith.constant 0 : i32
      %dma_wait3A_158 = tpu.memref_slice %arg7[%dma_wait3A_157] : memref<10000xi32, #tpu.memory_space<vmem>> -> memref<40xi32, #tpu.memory_space<vmem>>
      %dma_wait3A_159 = arith.constant 0 : i32
      %dma_wait3A_160 = arith.constant 0 : i32
      %dma_wait3A_161 = tpu.memref_slice %arg5[%dma_wait3A_159, %dma_wait3A_160] : memref<10000x128xf32, #tpu.memory_space<vmem_shared>> -> memref<10000x128xf32, #tpu.memory_space<vmem_shared>>
      tpu.wait_indirect_dma semaphore(%arg19 : memref<!tpu.dma_semaphore, #tpu.memory_space<semaphore_mem>>) src(%arg9 : memref<40x128xf32, #tpu.memory_space<vmem>>) dst(%dma_wait3A_161 : memref<10000x128xf32, #tpu.memory_space<vmem_shared>>)
      %add3A_162 = arith.constant 4 : i32
      %add3A_163 = arith.addi %add3A_144, %add3A_162 : i32
      %min3A_164 = arith.constant 249 : i32
      %min3A_165 = arith.minsi %add3A_163, %min3A_164 : i32
      %mul3A_166 = arith.constant 40 : i32
      %mul3A_167 = arith.muli %min3A_165, %mul3A_166 : i32
      %dma_start3A_168 = tpu.memref_slice %arg6[%mul3A_167] : memref<10000xi32, #tpu.memory_space<vmem>> -> memref<40xi32, #tpu.memory_space<vmem>>
      %dma_start3A_169 = arith.constant 0 : i32
      %dma_start3A_170 = arith.constant 0 : i32
      %dma_start3A_171 = tpu.memref_slice %arg2[%dma_start3A_169, %dma_start3A_170] : memref<10000x128xf32, #tpu.memory_space<hbm>> -> memref<10000x128xf32, #tpu.memory_space<hbm>>
      tpu.enqueue_indirect_dma source(%dma_start3A_171 : memref<10000x128xf32, #tpu.memory_space<hbm>>) target(%arg9 : memref<40x128xf32, #tpu.memory_space<vmem>>) offsets(%dma_start3A_168 : memref<40xi32, #tpu.memory_space<vmem>>) semaphore(%arg14 : memref<!tpu.dma_semaphore, #tpu.memory_space<semaphore_mem>>)
      %mul3A_172 = arith.constant 5 : i32
      %mul3A_173 = arith.muli %mul3A_172, %scan3A_82 : i32
      %add3A_174 = arith.constant 3 : i32
      %add3A_175 = arith.addi %mul3A_173, %add3A_174 : i32
      %mul3A_176 = arith.constant 40 : i32
      %mul3A_177 = arith.muli %add3A_175, %mul3A_176 : i32
      %dma_wait3A_178 = tpu.memref_slice %arg6[%mul3A_177] : memref<10000xi32, #tpu.memory_space<vmem>> -> memref<40xi32, #tpu.memory_space<vmem>>
      %dma_wait3A_179 = arith.constant 0 : i32
      %dma_wait3A_180 = arith.constant 0 : i32
      %dma_wait3A_181 = tpu.memref_slice %arg2[%dma_wait3A_179, %dma_wait3A_180] : memref<10000x128xf32, #tpu.memory_space<hbm>> -> memref<10000x128xf32, #tpu.memory_space<hbm>>
      tpu.wait_indirect_dma semaphore(%arg16 : memref<!tpu.dma_semaphore, #tpu.memory_space<semaphore_mem>>) src(%dma_wait3A_181 : memref<10000x128xf32, #tpu.memory_space<hbm>>) dst(%arg11 : memref<40x128xf32, #tpu.memory_space<vmem>>)
      %mul3A_182 = arith.constant 40 : i32
      %mul3A_183 = arith.muli %add3A_175, %mul3A_182 : i32
      %dma_start3A_184 = tpu.memref_slice %arg7[%mul3A_183] : memref<10000xi32, #tpu.memory_space<vmem>> -> memref<40xi32, #tpu.memory_space<vmem>>
      %dma_start3A_185 = arith.constant 0 : i32
      %dma_start3A_186 = arith.constant 0 : i32
      %dma_start3A_187 = tpu.memref_slice %arg5[%dma_start3A_185, %dma_start3A_186] : memref<10000x128xf32, #tpu.memory_space<vmem_shared>> -> memref<10000x128xf32, #tpu.memory_space<vmem_shared>>
      tpu.enqueue_indirect_dma source(%arg11 : memref<40x128xf32, #tpu.memory_space<vmem>>) target(%dma_start3A_187 : memref<10000x128xf32, #tpu.memory_space<vmem_shared>>) offsets(%dma_start3A_184 : memref<40xi32, #tpu.memory_space<vmem>>) semaphore(%arg21 : memref<!tpu.dma_semaphore, #tpu.memory_space<semaphore_mem>>) {add = true}
      %dma_wait3A_188 = arith.constant 0 : i32
      %dma_wait3A_189 = tpu.memref_slice %arg7[%dma_wait3A_188] : memref<10000xi32, #tpu.memory_space<vmem>> -> memref<40xi32, #tpu.memory_space<vmem>>
      %dma_wait3A_190 = arith.constant 0 : i32
      %dma_wait3A_191 = arith.constant 0 : i32
      %dma_wait3A_192 = tpu.memref_slice %arg5[%dma_wait3A_190, %dma_wait3A_191] : memref<10000x128xf32, #tpu.memory_space<vmem_shared>> -> memref<10000x128xf32, #tpu.memory_space<vmem_shared>>
      tpu.wait_indirect_dma semaphore(%arg20 : memref<!tpu.dma_semaphore, #tpu.memory_space<semaphore_mem>>) src(%arg10 : memref<40x128xf32, #tpu.memory_space<vmem>>) dst(%dma_wait3A_192 : memref<10000x128xf32, #tpu.memory_space<vmem_shared>>)
      %add3A_193 = arith.constant 4 : i32
      %add3A_194 = arith.addi %add3A_175, %add3A_193 : i32
      %min3A_195 = arith.constant 249 : i32
      %min3A_196 = arith.minsi %add3A_194, %min3A_195 : i32
      %mul3A_197 = arith.constant 40 : i32
      %mul3A_198 = arith.muli %min3A_196, %mul3A_197 : i32
      %dma_start3A_199 = tpu.memref_slice %arg6[%mul3A_198] : memref<10000xi32, #tpu.memory_space<vmem>> -> memref<40xi32, #tpu.memory_space<vmem>>
      %dma_start3A_200 = arith.constant 0 : i32
      %dma_start3A_201 = arith.constant 0 : i32
      %dma_start3A_202 = tpu.memref_slice %arg2[%dma_start3A_200, %dma_start3A_201] : memref<10000x128xf32, #tpu.memory_space<hbm>> -> memref<10000x128xf32, #tpu.memory_space<hbm>>
      tpu.enqueue_indirect_dma source(%dma_start3A_202 : memref<10000x128xf32, #tpu.memory_space<hbm>>) target(%arg10 : memref<40x128xf32, #tpu.memory_space<vmem>>) offsets(%dma_start3A_199 : memref<40xi32, #tpu.memory_space<vmem>>) semaphore(%arg15 : memref<!tpu.dma_semaphore, #tpu.memory_space<semaphore_mem>>)
      %mul3A_203 = arith.constant 5 : i32
      %mul3A_204 = arith.muli %mul3A_203, %scan3A_82 : i32
      %add3A_205 = arith.constant 4 : i32
      %add3A_206 = arith.addi %mul3A_204, %add3A_205 : i32
      %mul3A_207 = arith.constant 40 : i32
      %mul3A_208 = arith.muli %add3A_206, %mul3A_207 : i32
      %dma_wait3A_209 = tpu.memref_slice %arg6[%mul3A_208] : memref<10000xi32, #tpu.memory_space<vmem>> -> memref<40xi32, #tpu.memory_space<vmem>>
      %dma_wait3A_210 = arith.constant 0 : i32
      %dma_wait3A_211 = arith.constant 0 : i32
      %dma_wait3A_212 = tpu.memref_slice %arg2[%dma_wait3A_210, %dma_wait3A_211] : memref<10000x128xf32, #tpu.memory_space<hbm>> -> memref<10000x128xf32, #tpu.memory_space<hbm>>
      tpu.wait_indirect_dma semaphore(%arg17 : memref<!tpu.dma_semaphore, #tpu.memory_space<semaphore_mem>>) src(%dma_wait3A_212 : memref<10000x128xf32, #tpu.memory_space<hbm>>) dst(%arg12 : memref<40x128xf32, #tpu.memory_space<vmem>>)
      %mul3A_213 = arith.constant 40 : i32
      %mul3A_214 = arith.muli %add3A_206, %mul3A_213 : i32
      %dma_start3A_215 = tpu.memref_slice %arg7[%mul3A_214] : memref<10000xi32, #tpu.memory_space<vmem>> -> memref<40xi32, #tpu.memory_space<vmem>>
      %dma_start3A_216 = arith.constant 0 : i32
      %dma_start3A_217 = arith.constant 0 : i32
      %dma_start3A_218 = tpu.memref_slice %arg5[%dma_start3A_216, %dma_start3A_217] : memref<10000x128xf32, #tpu.memory_space<vmem_shared>> -> memref<10000x128xf32, #tpu.memory_space<vmem_shared>>
      tpu.enqueue_indirect_dma source(%arg12 : memref<40x128xf32, #tpu.memory_space<vmem>>) target(%dma_start3A_218 : memref<10000x128xf32, #tpu.memory_space<vmem_shared>>) offsets(%dma_start3A_215 : memref<40xi32, #tpu.memory_space<vmem>>) semaphore(%arg22 : memref<!tpu.dma_semaphore, #tpu.memory_space<semaphore_mem>>) {add = true}
      %dma_wait3A_219 = arith.constant 0 : i32
      %dma_wait3A_220 = tpu.memref_slice %arg7[%dma_wait3A_219] : memref<10000xi32, #tpu.memory_space<vmem>> -> memref<40xi32, #tpu.memory_space<vmem>>
      %dma_wait3A_221 = arith.constant 0 : i32
      %dma_wait3A_222 = arith.constant 0 : i32
      %dma_wait3A_223 = tpu.memref_slice %arg5[%dma_wait3A_221, %dma_wait3A_222] : memref<10000x128xf32, #tpu.memory_space<vmem_shared>> -> memref<10000x128xf32, #tpu.memory_space<vmem_shared>>
      tpu.wait_indirect_dma semaphore(%arg21 : memref<!tpu.dma_semaphore, #tpu.memory_space<semaphore_mem>>) src(%arg11 : memref<40x128xf32, #tpu.memory_space<vmem>>) dst(%dma_wait3A_223 : memref<10000x128xf32, #tpu.memory_space<vmem_shared>>)
      %add3A_224 = arith.constant 4 : i32
      %add3A_225 = arith.addi %add3A_206, %add3A_224 : i32
      %min3A_226 = arith.constant 249 : i32
      %min3A_227 = arith.minsi %add3A_225, %min3A_226 : i32
      %mul3A_228 = arith.constant 40 : i32
      %mul3A_229 = arith.muli %min3A_227, %mul3A_228 : i32
      %dma_start3A_230 = tpu.memref_slice %arg6[%mul3A_229] : memref<10000xi32, #tpu.memory_space<vmem>> -> memref<40xi32, #tpu.memory_space<vmem>>
      %dma_start3A_231 = arith.constant 0 : i32
      %dma_start3A_232 = arith.constant 0 : i32
      %dma_start3A_233 = tpu.memref_slice %arg2[%dma_start3A_231, %dma_start3A_232] : memref<10000x128xf32, #tpu.memory_space<hbm>> -> memref<10000x128xf32, #tpu.memory_space<hbm>>
      tpu.enqueue_indirect_dma source(%dma_start3A_233 : memref<10000x128xf32, #tpu.memory_space<hbm>>) target(%arg11 : memref<40x128xf32, #tpu.memory_space<vmem>>) offsets(%dma_start3A_230 : memref<40xi32, #tpu.memory_space<vmem>>) semaphore(%arg16 : memref<!tpu.dma_semaphore, #tpu.memory_space<semaphore_mem>>)
    }
    %scan3A_55 = arith.constant 50 : i32
    %dma_wait3A_56 = arith.constant 9960 : i32
    %dma_wait3A_57 = tpu.memref_slice %arg6[%dma_wait3A_56] : memref<10000xi32, #tpu.memory_space<vmem>> -> memref<40xi32, #tpu.memory_space<vmem>>
    %dma_wait3A_58 = arith.constant 0 : i32
    %dma_wait3A_59 = arith.constant 0 : i32
    %dma_wait3A_60 = tpu.memref_slice %arg2[%dma_wait3A_58, %dma_wait3A_59] : memref<10000x128xf32, #tpu.memory_space<hbm>> -> memref<10000x128xf32, #tpu.memory_space<hbm>>
    tpu.wait_indirect_dma semaphore(%arg13 : memref<!tpu.dma_semaphore, #tpu.memory_space<semaphore_mem>>) src(%dma_wait3A_60 : memref<10000x128xf32, #tpu.memory_space<hbm>>) dst(%arg8 : memref<40x128xf32, #tpu.memory_space<vmem>>)
    %dma_wait3A_61 = arith.constant 9960 : i32
    %dma_wait3A_62 = tpu.memref_slice %arg6[%dma_wait3A_61] : memref<10000xi32, #tpu.memory_space<vmem>> -> memref<40xi32, #tpu.memory_space<vmem>>
    %dma_wait3A_63 = arith.constant 0 : i32
    %dma_wait3A_64 = arith.constant 0 : i32
    %dma_wait3A_65 = tpu.memref_slice %arg2[%dma_wait3A_63, %dma_wait3A_64] : memref<10000x128xf32, #tpu.memory_space<hbm>> -> memref<10000x128xf32, #tpu.memory_space<hbm>>
    tpu.wait_indirect_dma semaphore(%arg14 : memref<!tpu.dma_semaphore, #tpu.memory_space<semaphore_mem>>) src(%dma_wait3A_65 : memref<10000x128xf32, #tpu.memory_space<hbm>>) dst(%arg9 : memref<40x128xf32, #tpu.memory_space<vmem>>)
    %dma_wait3A_66 = arith.constant 9960 : i32
    %dma_wait3A_67 = tpu.memref_slice %arg6[%dma_wait3A_66] : memref<10000xi32, #tpu.memory_space<vmem>> -> memref<40xi32, #tpu.memory_space<vmem>>
    %dma_wait3A_68 = arith.constant 0 : i32
    %dma_wait3A_69 = arith.constant 0 : i32
    %dma_wait3A_70 = tpu.memref_slice %arg2[%dma_wait3A_68, %dma_wait3A_69] : memref<10000x128xf32, #tpu.memory_space<hbm>> -> memref<10000x128xf32, #tpu.memory_space<hbm>>
    tpu.wait_indirect_dma semaphore(%arg15 : memref<!tpu.dma_semaphore, #tpu.memory_space<semaphore_mem>>) src(%dma_wait3A_70 : memref<10000x128xf32, #tpu.memory_space<hbm>>) dst(%arg10 : memref<40x128xf32, #tpu.memory_space<vmem>>)
    %dma_wait3A_71 = arith.constant 9960 : i32
    %dma_wait3A_72 = tpu.memref_slice %arg6[%dma_wait3A_71] : memref<10000xi32, #tpu.memory_space<vmem>> -> memref<40xi32, #tpu.memory_space<vmem>>
    %dma_wait3A_73 = arith.constant 0 : i32
    %dma_wait3A_74 = arith.constant 0 : i32
    %dma_wait3A_75 = tpu.memref_slice %arg2[%dma_wait3A_73, %dma_wait3A_74] : memref<10000x128xf32, #tpu.memory_space<hbm>> -> memref<10000x128xf32, #tpu.memory_space<hbm>>
    tpu.wait_indirect_dma semaphore(%arg16 : memref<!tpu.dma_semaphore, #tpu.memory_space<semaphore_mem>>) src(%dma_wait3A_75 : memref<10000x128xf32, #tpu.memory_space<hbm>>) dst(%arg11 : memref<40x128xf32, #tpu.memory_space<vmem>>)
    %dma_wait3A_76 = arith.constant 0 : i32
    %dma_wait3A_77 = tpu.memref_slice %arg7[%dma_wait3A_76] : memref<10000xi32, #tpu.memory_space<vmem>> -> memref<40xi32, #tpu.memory_space<vmem>>
    %dma_wait3A_78 = arith.constant 0 : i32
    %dma_wait3A_79 = arith.constant 0 : i32
    %dma_wait3A_80 = tpu.memref_slice %arg5[%dma_wait3A_78, %dma_wait3A_79] : memref<10000x128xf32, #tpu.memory_space<vmem_shared>> -> memref<10000x128xf32, #tpu.memory_space<vmem_shared>>
    tpu.wait_indirect_dma semaphore(%arg22 : memref<!tpu.dma_semaphore, #tpu.memory_space<semaphore_mem>>) src(%arg12 : memref<40x128xf32, #tpu.memory_space<vmem>>) dst(%dma_wait3A_80 : memref<10000x128xf32, #tpu.memory_space<vmem_shared>>)
    %barrier3A_81 = arith.constant 0 : index
    tpu.barrier barrier_id(%barrier3A_81)
    "tpu.region"() ({
      %run_scoped3A = tpu.sem_alloc : memref<!tpu.dma_semaphore, #tpu.memory_space<semaphore_mem>>
      %dma_start3A_82 = arith.constant 0 : i32
      %dma_start3A_83 = tpu.memref_slice %arg4[%arg0, %mul3A_0, %dma_start3A_82] : memref<2x10000x128xf32, #tpu.memory_space<hbm>> -> memref<1x625x128xf32, #tpu.memory_space<hbm>>
      %dma_start3A_84 = tpu.memref_squeeze %dma_start3A_83 : memref<1x625x128xf32, #tpu.memory_space<hbm>> -> memref<625x128xf32, #tpu.memory_space<hbm>>
      %dma_start3A_85 = arith.constant 0 : i32
      %dma_start3A_86 = tpu.memref_slice %arg5[%mul3A_0, %dma_start3A_85] : memref<10000x128xf32, #tpu.memory_space<vmem_shared>> -> memref<625x128xf32, #tpu.memory_space<vmem_shared>>
      tpu.enqueue_dma source(%dma_start3A_86 : memref<625x128xf32, #tpu.memory_space<vmem_shared>>) target(%dma_start3A_84 : memref<625x128xf32, #tpu.memory_space<hbm>>) target_semaphore(%run_scoped3A : memref<!tpu.dma_semaphore, #tpu.memory_space<semaphore_mem>>)
      %dma_wait3A_87 = arith.constant 0 : i32
      %dma_wait3A_88 = tpu.memref_slice %arg4[%arg0, %mul3A_0, %dma_wait3A_87] : memref<2x10000x128xf32, #tpu.memory_space<hbm>> -> memref<1x625x128xf32, #tpu.memory_space<hbm>>
      %dma_wait3A_89 = tpu.memref_squeeze %dma_wait3A_88 : memref<1x625x128xf32, #tpu.memory_space<hbm>> -> memref<625x128xf32, #tpu.memory_space<hbm>>
      %dma_wait3A_90 = arith.constant 0 : i32
      %dma_wait3A_91 = tpu.memref_slice %arg5[%mul3A_0, %dma_wait3A_90] : memref<10000x128xf32, #tpu.memory_space<vmem_shared>> -> memref<625x128xf32, #tpu.memory_space<vmem_shared>>
      tpu.wait_dma2 semaphore(%run_scoped3A : memref<!tpu.dma_semaphore, #tpu.memory_space<semaphore_mem>>) src(%dma_wait3A_91 : memref<625x128xf32, #tpu.memory_space<vmem_shared>>) dst(%dma_wait3A_89 : memref<625x128xf32, #tpu.memory_space<hbm>>)
      tpu.yield
    }) : () -> ()
    return
  }
}

module attributes {stable_mosaic.version = 14 : i64} {
  func.func @body(%arg0: memref<1xf32, #tpu.memory_space<smem>>, %arg1: memref<2x10000x128xf32, #tpu.memory_space<vmem>>, %arg2: memref<10000x128xf32, #tpu.memory_space<vmem>>, %arg3: memref<128x128xf32, #tpu.memory_space<vmem>>, %arg4: memref<1x128xf32, #tpu.memory_space<vmem>>, %arg5: memref<128x128xf32, #tpu.memory_space<vmem>>, %arg6: memref<1x128xf32, #tpu.memory_space<vmem>>, %arg7: memref<1x128xf32, #tpu.memory_space<vmem>>, %arg8: memref<10000x128xf32, #tpu.memory_space<vmem>>) attributes {dimension_semantics = [], scalar_prefetch = 0 : i64, scratch_operands = 0 : i64, tpu.core_type = #tpu.core_type<tc>} {
    %get3A = arith.constant 0 : index
    %get3A_0 = arith.constant 0 : index
    %get3A_1 = arith.constant 0 : index
    %get3A_2 = vector.load %arg1[%get3A, %get3A_0, %get3A_1] : memref<2x10000x128xf32, #tpu.memory_space<vmem>>, vector<1x10000x128xf32>
    %get3A_3 = vector.shape_cast %get3A_2 : vector<1x10000x128xf32> to vector<10000x128xf32>
    %get3A_4 = arith.constant 1 : index
    %get3A_5 = arith.constant 0 : index
    %get3A_6 = arith.constant 0 : index
    %get3A_7 = vector.load %arg1[%get3A_4, %get3A_5, %get3A_6] : memref<2x10000x128xf32, #tpu.memory_space<vmem>>, vector<1x10000x128xf32>
    %get3A_8 = vector.shape_cast %get3A_7 : vector<1x10000x128xf32> to vector<10000x128xf32>
    %add3A = arith.addf %get3A_3, %get3A_8 : vector<10000x128xf32>
    %get3A_9 = arith.constant 0 : index
    %get3A_10 = memref.load %arg0[%get3A_9] : memref<1xf32, #tpu.memory_space<smem>>
    %sub3A = arith.constant 1.000000e+00 : f32
    %sub3A_11 = arith.subf %get3A_10, %sub3A : f32
    %get3A_12 = arith.constant 0 : index
    %get3A_13 = arith.constant 0 : index
    %get3A_14 = vector.load %arg2[%get3A_12, %get3A_13] : memref<10000x128xf32, #tpu.memory_space<vmem>>, vector<10000x128xf32>
    %mul3A = vector.broadcast %sub3A_11 : f32 to vector<10000x128xf32>
    %mul3A_15 = arith.mulf %mul3A, %get3A_14 : vector<10000x128xf32>
    %add3A_16 = arith.addf %add3A, %mul3A_15 : vector<10000x128xf32>
    %get3A_17 = arith.constant 0 : index
    %get3A_18 = arith.constant 0 : index
    %get3A_19 = vector.load %arg3[%get3A_17, %get3A_18] : memref<128x128xf32, #tpu.memory_space<vmem>>, vector<128x128xf32>
    %dot_general3A = arith.constant dense<0.000000e+00> : vector<10000x128xf32>
    %dot_general3A_20 = tpu.matmul %add3A_16, %get3A_19, %dot_general3A {dimension_numbers = #tpu.dot_dimension_numbers<[1], [0], [0], [1], [0, 0, 1, 1], [], []>, transpose_lhs_hint = false} : vector<10000x128xf32>, vector<128x128xf32>, vector<10000x128xf32> -> vector<10000x128xf32>
    %get3A_21 = arith.constant 0 : index
    %get3A_22 = arith.constant 0 : index
    %get3A_23 = vector.load %arg4[%get3A_21, %get3A_22] : memref<1x128xf32, #tpu.memory_space<vmem>>, vector<1x128xf32>
    %add3A_24 = vector.broadcast %get3A_23 : vector<1x128xf32> to vector<10000x128xf32>
    %add3A_25 = arith.addf %dot_general3A_20, %add3A_24 : vector<10000x128xf32>
    %max3A = arith.constant 0.000000e+00 : f32
    %max3A_26 = vector.broadcast %max3A : f32 to vector<10000x128xf32>
    %max3A_27 = arith.maximumf %add3A_25, %max3A_26 : vector<10000x128xf32>
    %get3A_28 = arith.constant 0 : index
    %get3A_29 = arith.constant 0 : index
    %get3A_30 = vector.load %arg5[%get3A_28, %get3A_29] : memref<128x128xf32, #tpu.memory_space<vmem>>, vector<128x128xf32>
    %dot_general3A_31 = arith.constant dense<0.000000e+00> : vector<10000x128xf32>
    %dot_general3A_32 = tpu.matmul %max3A_27, %get3A_30, %dot_general3A_31 {dimension_numbers = #tpu.dot_dimension_numbers<[1], [0], [0], [1], [0, 0, 1, 1], [], []>, transpose_lhs_hint = false} : vector<10000x128xf32>, vector<128x128xf32>, vector<10000x128xf32> -> vector<10000x128xf32>
    %reduce_sum3A = arith.constant dense<0.000000e+00> : vector<128xf32>
    %reduce_sum3A_33 = vector.multi_reduction <add>, %dot_general3A_32, %reduce_sum3A [0] : vector<10000x128xf32> to vector<128xf32>
    %broadcast_in_dim3A = vector.shape_cast %reduce_sum3A_33 : vector<128xf32> to vector<1x128xf32>
    %div3A = arith.constant 1.000000e+04 : f32
    %div3A_34 = vector.broadcast %div3A : f32 to vector<1x128xf32>
    %div3A_35 = arith.divf %broadcast_in_dim3A, %div3A_34 : vector<1x128xf32>
    %sub3A_36 = vector.broadcast %div3A_35 : vector<1x128xf32> to vector<10000x128xf32>
    %sub3A_37 = arith.subf %dot_general3A_32, %sub3A_36 : vector<10000x128xf32>
    %mul3A_38 = arith.mulf %sub3A_37, %sub3A_37 : vector<10000x128xf32>
    %reduce_sum3A_39 = arith.constant dense<0.000000e+00> : vector<128xf32>
    %reduce_sum3A_40 = vector.multi_reduction <add>, %mul3A_38, %reduce_sum3A_39 [0] : vector<10000x128xf32> to vector<128xf32>
    %broadcast_in_dim3A_41 = vector.shape_cast %reduce_sum3A_40 : vector<128xf32> to vector<1x128xf32>
    %div3A_42 = arith.constant 1.000000e+04 : f32
    %div3A_43 = vector.broadcast %div3A_42 : f32 to vector<1x128xf32>
    %div3A_44 = arith.divf %broadcast_in_dim3A_41, %div3A_43 : vector<1x128xf32>
    %add3A_45 = arith.constant 9.99999974E-6 : f32
    %add3A_46 = vector.broadcast %add3A_45 : f32 to vector<1x128xf32>
    %add3A_47 = arith.addf %div3A_44, %add3A_46 : vector<1x128xf32>
    %rsqrt3A = math.rsqrt %add3A_47 : vector<1x128xf32>
    %mul3A_48 = vector.broadcast %rsqrt3A : vector<1x128xf32> to vector<10000x128xf32>
    %mul3A_49 = arith.mulf %sub3A_37, %mul3A_48 : vector<10000x128xf32>
    %get3A_50 = arith.constant 0 : index
    %get3A_51 = arith.constant 0 : index
    %get3A_52 = vector.load %arg6[%get3A_50, %get3A_51] : memref<1x128xf32, #tpu.memory_space<vmem>>, vector<1x128xf32>
    %mul3A_53 = vector.broadcast %get3A_52 : vector<1x128xf32> to vector<10000x128xf32>
    %mul3A_54 = arith.mulf %mul3A_49, %mul3A_53 : vector<10000x128xf32>
    %get3A_55 = arith.constant 0 : index
    %get3A_56 = arith.constant 0 : index
    %get3A_57 = vector.load %arg7[%get3A_55, %get3A_56] : memref<1x128xf32, #tpu.memory_space<vmem>>, vector<1x128xf32>
    %add3A_58 = vector.broadcast %get3A_57 : vector<1x128xf32> to vector<10000x128xf32>
    %add3A_59 = arith.addf %mul3A_54, %add3A_58 : vector<10000x128xf32>
    %max3A_60 = arith.constant 0.000000e+00 : f32
    %max3A_61 = vector.broadcast %max3A_60 : f32 to vector<10000x128xf32>
    %max3A_62 = arith.maximumf %add3A_59, %max3A_61 : vector<10000x128xf32>
    %swap3A = arith.constant 0 : index
    %swap3A_63 = arith.constant 0 : index
    %swap3A_64 = vector.load %arg8[%swap3A, %swap3A_63] : memref<10000x128xf32, #tpu.memory_space<vmem>>, vector<10000x128xf32>
    tpu.vector_store %arg8[%swap3A, %swap3A_63], %max3A_62 {strides = array<i32>} : memref<10000x128xf32, #tpu.memory_space<vmem>>, vector<10000x128xf32>,
    return
  }
}

</mosaic_0001>

<sc_bundles>
// kernel: kernel.4.cloned.1.call-start
scs
__scs_entry_jumppad:
0x0: {  	(pc) =	sbr.rel $0x88, $3  }
0x1: {  	(tag) =	ssettag $0x0;
	lr =	simm.s32 $0x1  }
0x2: {  	[smem:$0x3F99] =	sst lr;
	_ =	strace $0xD0000000  }
0x3: {  	_ = 	snop  }
0x4: {  	_ = 	snop  }
0x5: {  	_ = 	snop  }
0x6: {  	_ = 	snop  }
0x7: {  	_ = 	snop  }
__scs_overlays_trampoline_lowered:
0x8: {  	[smem:$0x3FA8] =	sst s0  }
0x9: {  	[smem:$0x3FA9] =	sst s1  }
0xa: {  	[smem:$0x3FAA] =	sst s2  }
0xb: {  	[smem:$0x3FAB] =	sst s3  }
0xc: {  	[smem:$0x3FAC] =	sst s4  }
0xd: {  	[smem:$0x3FAD] =	sst s5  }
0xe: {  	[smem:$0x3FAE] =	sst s6  }
0xf: {  	[smem:$0x3FAF] =	sst s7  }
0x10: {  	[smem:$0x3FB0] =	sst s8  }
0x11: {  	[smem:$0x3FB1] =	sst s9;
	s0 =	simm.s32 @!p0 $0x0  }
0x12: {  	s1 =	sld [smem:$0x3F97];
	s0 =	simm.s32 @p0 $0x1  }
0x13: {  	[smem:$0x3FB2] =	sst s0;
	s0 =	simm.s32 @!p1 $0x0  }
0x14: {  	s2 =	sld [smem:$0x3F96];
	s0 =	simm.s32 @p1 $0x1  }
0x15: {  	[smem:$0x3FB3] =	sst s0;
	s0 =	simm.s32 @!p2 $0x0  }
0x16: {  	s3 =	sld [smem:$0x3FDB];
	s0 =	simm.s32 @p2 $0x1  }
0x17: {  	s4 =	simm.s32 $0x1BF5;
	[smem:$0x3FB5] =	sst s0  }
0x18: {  	s0 =	sld [smem:$0x3F98];
	_ =	swait.ge [sflag:s4], $0x0  }
0x19: {  	s7 =	sld [smem:$0x3F99]  }
0x1a: {  	s8 =	sadd.s32 $0xFFFFE003, lr  }
0x1b: {  	s9 =	sadd.s32 $0xFFFFFEF7, lr;
	s5 =	simm.s32 $0xFFFFFFFF;
	p2 =	slt.u32 s8, $0xFFFFF086  }
0x1c: {  	p1 =	slt.u32 s9, $0xF7A;
	s5 =	simm.s32 @!p2 $0x0  }
0x1d: {  	s5 =	simm.s32 @p1 $0x1;
	p0 =	seq.s32 s7, s2  }
0x1e: {  	s7 =	smul.u32 @!p0 $0xF7A, s2;
	p2 =	seq.s32 @!p0 s5, $0x0  }
0x1f: {  	s9 =	smul.u32 $0xF7A, s1;
	s8 =	simm.s32 @!p0 $0x1BF5;
	p2 =	por !p2, p0  }
0x20: {  	[sflag:s8] =	ssyncset.s32 @!p0 $0xFFFFF086;
	s6 =	sadd.s32 @!p0 s3, s7;
	s7 =	simm.s32 @!p0 $0x108  }
0x21: {  	s3 =	sadd.s32 s3, s9;
	s6 =	sadd.s32 @!p0 $0x88, s6;
	s7 =	simm.s32 @p2 $0x1082  }
0x22: {  	[simem:s7], [sflag:s8] =	dma.local @!p0 [hbm:s6], $0xF7A  }
0x23: {  	s9 =	sor.u32 $0xD0000000, s2;
	s6 =	simm.s32 $0x108;
	_ =	swait.ge @!p0 [sflag:s8], $0x0  }
0x24: {  	s3 =	sadd.s32 $0x88, s3;
	s6 =	simm.s32 @!p1 $0x1082;
	[sflag:s4] =	ssyncset.s32 $0xFFFFF086  }
0x25: {  	[simem:s6], [sflag:s4] =	dma.local [hbm:s3], $0xF7A  }
0x26: {  	[smem:$0x3F99] =	sst s1;
	(tag) =	ssettag s2;
	_ =	strace s9  }
0x27: {  	s1 =	sld [smem:$0x3FA9]  }
0x28: {  	s2 =	sld [smem:$0x3FAA]  }
0x29: {  	s4 =	sld [smem:$0x3FAC]  }
0x2a: {  	p0 =	seq.s32 s5, $0x0;
	s5 =	sld [smem:$0x3FAD]  }
0x2b: {  	s6 =	sld [smem:$0x3FAE]  }
0x2c: {  	s7 =	sld [smem:$0x3FAF]  }
0x2d: {  	s3 =	simm.s32 $0x108;
	s8 =	sld [smem:$0x3FB0]  }
0x2e: {  	s3 =	simm.s32 @!p0 $0x1082;
	s9 =	sld [smem:$0x3FB1]  }
0x2f: {  	lr =	sadd.s32 s0, s3;
	s0 =	sld [smem:$0x3FA8]  }
0x30: {  	s3 =	sld [smem:$0x3FAB]  }
0x31: {  	[smem:$0x3FB4] =	sst s10  }
0x32: {  	s10 =	sld [smem:$0x3FB2];
	_ =	sdelay $0x3  }
0x33: {  	p0 =	seq.s32 s10, $0x1;
	s10 =	sld [smem:$0x3FB4];
	_ =	sdelay $0x3  }
0x34: {  	[smem:$0x3FB4] =	sst s10  }
0x35: {  	s10 =	sld [smem:$0x3FB3];
	_ =	sdelay $0x3  }
0x36: {  	p1 =	seq.s32 s10, $0x1;
	s10 =	sld [smem:$0x3FB4];
	_ =	sdelay $0x3  }
0x37: {  	[smem:$0x3FB4] =	sst s10  }
0x38: {  	s10 =	sld [smem:$0x3FB5]  }
0x39: {  	_ = 	snop;
	(pc) =	sbr.ind lr, $3  }
0x3a: {  	_ = 	snop  }
0x3b: {  	_ = 	snop  }
0x3c: {  	p2 =	seq.s32 s10, $0x1;
	s10 =	sld [smem:$0x3FB4]  }
0x3d: {  	_ =	shalt  }
0x3e: {  	_ =	shalt  }
0x3f: {  	_ =	shalt  }
0x40: {  	_ =	shalt  }
0x41: {  	_ =	shalt  }
0x42: {  	_ =	shalt  }
0x43: {  	_ =	shalt  }
0x44: {  	_ =	shalt  }
0x45: {  	_ =	shalt  }
0x46: {  	_ =	shalt  }
0x47: {  	_ =	shalt  }
0x48: {  	_ =	shalt  }
0x49: {  	_ =	shalt  }
0x4a: {  	_ =	shalt  }
0x4b: {  	_ =	shalt  }
0x4c: {  	_ =	shalt  }
0x4d: {  	_ =	shalt  }
0x4e: {  	_ =	shalt  }
0x4f: {  	_ =	shalt  }
0x50: {  	_ =	shalt  }
0x51: {  	_ =	shalt  }
0x52: {  	_ =	shalt  }
0x53: {  	_ =	shalt  }
0x54: {  	_ =	shalt  }
0x55: {  	_ =	shalt  }
0x56: {  	_ =	shalt  }
0x57: {  	_ =	shalt  }
0x58: {  	_ =	shalt  }
0x59: {  	_ =	shalt  }
0x5a: {  	_ =	shalt  }
0x5b: {  	_ =	shalt  }
0x5c: {  	_ =	shalt  }
0x5d: {  	_ =	shalt  }
0x5e: {  	_ =	shalt  }
0x5f: {  	_ =	shalt  }
0x60: {  	_ =	shalt  }
0x61: {  	_ =	shalt  }
0x62: {  	_ =	shalt  }
0x63: {  	_ =	shalt  }
0x64: {  	_ =	shalt  }
0x65: {  	_ =	shalt  }
0x66: {  	_ =	shalt  }
0x67: {  	_ =	shalt  }
0x68: {  	_ =	shalt  }
0x69: {  	_ =	shalt  }
0x6a: {  	_ =	shalt  }
0x6b: {  	_ =	shalt  }
0x6c: {  	_ =	shalt  }
0x6d: {  	_ =	shalt  }
0x6e: {  	_ =	shalt  }
0x6f: {  	_ =	shalt  }
0x70: {  	_ =	shalt  }
0x71: {  	_ =	shalt  }
0x72: {  	_ =	shalt  }
0x73: {  	_ =	shalt  }
0x74: {  	_ =	shalt  }
0x75: {  	_ =	shalt  }
0x76: {  	_ =	shalt  }
0x77: {  	_ =	shalt  }
0x78: {  	_ =	shalt  }
0x79: {  	_ =	shalt  }
0x7a: {  	_ =	shalt  }
0x7b: {  	_ =	shalt  }
0x7c: {  	_ =	shalt  }
0x7d: {  	_ =	shalt  }
0x7e: {  	_ =	shalt  }
0x7f: {  	_ =	shalt  }
0x80: {  	_ =	shalt  }
0x81: {  	_ =	shalt  }
0x82: {  	_ =	shalt  }
0x83: {  	_ =	shalt  }
0x84: {  	_ =	shalt  }
0x85: {  	_ =	shalt  }
0x86: {  	_ =	shalt  }
0x87: {  	_ =	shalt  }
.Lfunc_end0:
.L_simem_size_0:
called_computation_lowered:
.L_overlay_start_0:
0x88: {  	s2 =	sld [smem:$0x3FD9]  }
0x89: {  	s3 =	sld [smem:$0x3FFE];
	_ =	sdelay $0x1  }
0x8a: {  	s1 =	srdreg.scid  }
0x8b: {  	s0 =	sand.u32 $0x1, s1  }
0x8c: {  	s17 =	sshll.u32 s0, $0xA;
	s2 =	sadd.s32 s3, s2  }
0x8d: {  	s2 =	sadd.s32 s2, s17  }
0x8e: {  	[smem:$0x3FC0] =	sst s2  }
0x8f: {  	_ = 	snop  }
0x90: {  	s2 =	sld [smem:$0x3FC9]  }
0x91: {  	s18 =	sld [smem:$0x3FD0];
	(tm) =	ssettm $0x1  }
0x92: {  	s4 =	sld [smem:$0x3FFB];
	_ =	sdelay $0x3  }
0x93: {  	_ =	strace s4  }
0x94: {  	s4 =	sld [smem:$0x3FFC];
	_ =	sdelay $0x3  }
0x95: {  	_ =	strace s4  }
0x96: {  	s4 =	sld [smem:$0x3FFD];
	_ =	sdelay $0x3  }
0x97: {  	_ =	strace s4  }
0x98: {  	_ =	strace $0x8FFFFFFF  }
0x99: {  	s19 =	sld [smem:$0x3FDB];
	_ =	sdelay $0x1  }
0x9a: {  	s5 =	simm.s32 $_scs_section_size  }
0x9b: {  	s6 =	simm.s32 $_size__tile_overlayer_lowered;
	s7 =	simm.s32 $_tile_overlayer_lowered  }
0x9c: {  	s22 =	simm.s32 $0x1BFF;
	s21 =	sshll.u32 s7, $0x1;
	s4 =	sadd.s32 s5, s19  }
0x9d: {  	s8 =	simm.s32 $0x0;
	s20 =	sshll.u32 s6, $0x1;
	s6 =	sadd.s32 s21, s4  }
0x9e: {  	[timem:s8], [sflag:s22] =	dma.local [hbm:s6], s20  }
0x9f: {  	_ =	swait.ge [sflag:s22], s20  }
0xa0: {  	s5 =	ssub.s32 $0x0, s20;
	[sflag:s22] =	ssyncset.done $0x0  }
0xa1: {  	[sflag:s22] =	ssyncadd.s32 s5;
	_ =	sdelay $0x1  }
0xa2: {  	s23 =	simm.s32 $0x1B8B  }
0xa3: {  	_ =	swait.ge [sflag:s23], $0x1  }
0xa4: {  	[sflag:s23] =	ssyncset.done $0x0  }
0xa5: {  	s25 =	simm.s32 $0x1B8E;
	s24 =	sld [smem:$0x3FFE];
	[sflag:s23] =	ssyncadd.s32 $0xFFFFFFFF  }
0xa6: {  	s26 =	simm.s32 $execute0_lowered;
	[smem:$0x3FD2] =	sst s25  }
0xa7: {  	s6 =	sshll.u32 s26, $0x1;
	_ =	strace $0x80000046;
	[dreg:$0x1] =	wrdreg $0xFFFFFFFF  }
0xa8: {  	s28 =	simm.s32 $_size_execute0_lowered;
	s4 =	sadd.s32 s4, s6;
	[dreg:$0x0] =	wrdreg $0x0  }
0xa9: {  	s6 =	sshll.u32 s28, $0x1;
	[dreg:$0x2] =	wrdreg s4  }
0xaa: {  	[dreg:$0x3] =	wrdreg s6  }
0xab: {  	[dreg:$0x4] =	wrdreg $0xC0  }
0xac: {  	_ =	task [dreg:s8], $0x5FFFF  }
0xad: {  	[dreg:$0x1] =	wrdreg $0xFFFFFFFF  }
0xae: {  	[dreg:$0x0] =	wrdreg $0x60  }
0xaf: {  	[dreg:$0x2] =	wrdreg s2  }
0xb0: {  	[dreg:$0x3] =	wrdreg s18  }
0xb1: {  	[dreg:$0x4] =	wrdreg s24  }
0xb2: {  	[dreg:$0x5] =	wrdreg $0x0  }
0xb3: {  	[dreg:$0x6] =	wrdreg $0x9  }
0xb4: {  	_ =	task.clear_ibuf [dreg:s8], $0x7FFFF;
	_ =	strace $0x90000046  }
0xb5: {  	s29 =	simm.s32 $0x9;
	_ =	strace $0x80000048  }
0xb6: {  	_ =	swait.ge [sflag:s29], $0x1  }
0xb7: {  	[sflag:s29] =	ssyncadd.s32 $0xFFFFFFFF  }
0xb8: {  	_ =	strace $0x90000048  }
0xb9: {  	_ =	sfence  }
0xba: {  	s30 =	sld [smem:$0x0];
	_ =	sdelay $0x2  }
0xbb: {  	s31 =	sshll.u32 s1, $0xD;
	s1 =	sshrl.u32 s1, $0x2  }
0xbc: {  	s3 =	sand.u32 $0x4000, s31;
	s1 =	sadd.s32 s1, s30  }
0xbd: {  	s0 =	sor.u32 s3, s0;
	s1 =	sshll.u32 s1, $0x11  }
0xbe: {  	s0 =	sor.u32 s1, s0  }
0xbf: {  	s0 =	sadd.s32 $0x8F2B, s0  }
0xc0: {  	[sflag:s0] =	ssyncadd.remote.s32 $0x1  }
0xc1: {  	_ =	sfence.sel $0xFFFF  }
0xc2: {  	[dreg:$0x0] =	wrdreg $0xFFFFFFFF;
	(pc) =	sbr.abs _section_cstart, $3  }
0xc3: {  	[dreg:$0x1] =	wrdreg $0xFFFFFFFF  }
0xc4: {  	_ =	task.clear_ibuf [dreg:s8], $0x2FFFF;
	_ =	strace $0x9FFFFFFF  }
0xc5: {  	(tm) =	ssettm $0x7FFFFFFF  }
tec
execute0_lowered:
.L_overlay_start_1:
0x0: {  	(tag) =	ssettag $0x1  }
0x1: {  	s1 =	rddreg [dreg:$0x0]  }
0x2: {  	s0 =	rddreg [dreg:$0x1]  }
0x3: {  	s2 =	rddreg [dreg:$0x2];
	s4 =	srdreg.scid  }
0x4: {  	s9 =	stileid.u32;
	s3 =	rddreg [dreg:$0x3]  }
0x5: {  	s7 =	simm.s32 $0x0;
	s14 =	simm.s32 $0x15F90;
	s15 =	simm.s32 $0x1  }
0x6: {  	s16 =	simm.s32 $0x2;
	s17 =	simm.s32 $0x3;
	s18 =	simm.s32 $0x28  }
0x7: {  	s19 =	simm.s32 $0x186A0;
	s21 =	simm.s32 $0x19AA0;
	s23 =	simm.s32 $0x1AEA0  }
0x8: {  	s28 =	simm.s32 $0x1D6A0;
	s30 =	simm.s32 $0x6;
	s22 =	simm.s32 $0x4  }
0x9: {  	s31 =	simm.s32 $0x5;
	s20 =	simm.s32 $0x9;
	s29 =	simm.s32 $0xA  }
0xa: {  	s24 =	simm.s32 $0xB;
	s4 =	sand.u32 $0x1, s4;
	s5 =	smul.u32 $0x13880, s9  }
0xb: {  	[smem:$0x7FF] =	sst s7;
	s6 =	smul.u32 $0x138800, s4;
	s25 =	sshll.u32 s4, $0x4  }
0xc: {  	s4 =	ssub.s32 $0x2, s4;
	_ =	strace $0x80000047;
	s7 =	sor.u32 s9, s25  }
0xd: {  	s8 =	sshrl.u32 s4, $0x1;
	s12 =	sadd.s32 s5, s3;
	s25 =	simm.s32 $0x1C2A0  }
0xe: {  	s6 =	sadd.s32 s5, s6;
	s7 =	smul.u32 $0x2710, s7;
	s4 =	ssub.s32 s4, s8  }
0xf: {  	s5 =	sshrl.u32 s5, $0x3;
	s12 =	sshrl.u32 s12, $0x3;
	s6 =	sshrl.u32 s6, $0x3  }
0x10: {  	s5 =	sadd.s32 s1, s5;
	s11 =	smax.u32 s4, $0x1;
	s4 =	simm.s32 $0x0  }
0x11: {  	s2 =	sadd.s32 s6, s2;
	s7 =	sshrl.u32 s7, $0x3;
	s6 =	sshll.u32 s9, $0x6  }
0x12: {  	[dreg:$0x5] =	wrdreg s5;
	s7 =	sadd.s32 s0, s7;
	s26 =	sor.u32 $0x1C01, s6  }
0x13: {  	s10 =	sadd.s32 $0x1800, s2;
	s0 =	simm.s32 $0x7;
	s2 =	simm.s32 $0x15F68  }
0x14: {  	[dreg:$0x6] =	wrdreg s26;
	s9 =	sadd.s32 $0x9C40, s7;
	s26 =	simm.s32 $0x8  }
.LBB2_1:
0x15: {  	s5 =	rddreg [dreg:$0x5]  }
0x16: {  	s8 =	rddreg [dreg:$0x6]  }
0x17: {  	[spmem:s12], [sflag:s8] =	dma.local [hbm:s5], $0x2710  }
0x18: {  	s13 =	simm.s32 $0x13880;
	s8 =	simm.s32 $0x0  }
0x19: {  	[tilespmem:s13], [sflag:$0x2] =	stream.linear.gather [hbm4b:s7+s8], $0x2710, $0x38;
	[tilespmem:$0x1EAA0] =	vst v63  }
0x1a: {  	_ = 	snop  }
0x1b: {  	[tilespmem:s14], [sflag:$0x3] =	stream.linear.gather [hbm4b:s9+s8], $0x2710, $0x38;
	[tilespmem:$0x1EAA0] =	vst v63  }
0x1c: {  	_ =	swait.ge [sflag:s15], $0x2710  }
0x1d: {  	[sflag:s15] =	ssyncset.done $0x0  }
0x1e: {  	[sflag:s15] =	ssyncadd.s32 $0xFFFFD8F0  }
0x1f: {  	_ =	swait.ge [sflag:s16], $0x2710  }
0x20: {  	[sflag:s16] =	ssyncset.done $0x0  }
0x21: {  	[sflag:s16] =	ssyncadd.s32 $0xFFFFD8F0  }
0x22: {  	_ =	swait.ge [sflag:s17], $0x2710  }
0x23: {  	[sflag:s17] =	ssyncset.done $0x0  }
0x24: {  	[sflag:s17] =	ssyncadd.s32 $0xFFFFD8F0  }
0x25: {  	[bflag:$0x0] =	sbarrier.arrive $0xFFFF  }
0x26: {  	[tilespmem:s19], [sflag:$0x1] =	stream.indirect.gather [hbm4b:s1+s18], $0x80, s13, s18, $0xb8;
	[tilespmem:$0x1EAA0] =	vst v63  }
0x27: {  	s13 =	simm.s32 $0x138A8  }
0x28: {  	[tilespmem:s21], [sflag:$0x2] =	stream.indirect.gather [hbm4b:s1+s18], $0x80, s13, s18, $0xb8;
	[tilespmem:$0x1EAA0] =	vst v63  }
0x29: {  	s8 =	simm.s32 $0x138D0  }
0x2a: {  	[tilespmem:s23], [sflag:$0x3] =	stream.indirect.gather [hbm4b:s1+s18], $0x80, s8, s18, $0xb8;
	[tilespmem:$0x1EAA0] =	vst v63  }
0x2b: {  	s13 =	simm.s32 $0x138F8  }
0x2c: {  	[tilespmem:s25], [sflag:$0x4] =	stream.indirect.gather [hbm4b:s1+s18], $0x80, s13, s18, $0xb8;
	[tilespmem:$0x1EAA0] =	vst v63  }
0x2d: {  	_ =	swait.ge [sflag:s15], $0x1400  }
0x2e: {  	[sflag:s15] =	ssyncset.done $0x0  }
0x2f: {  	[sflag:s15] =	ssyncadd.s32 $0xFFFFEC00  }
0x30: {  	[spmem:s3] =	stream.indirect.scatter.add.f32 [tilespmem:s19], [sflag:$0x6], $0x80, s14, s18, $0xb8;
	[tilespmem:$0x1EAA0] =	vst v63  }
0x31: {  	s8 =	simm.s32 $0x13920  }
0x32: {  	[tilespmem:s28], [sflag:$0x5] =	stream.indirect.gather [hbm4b:s1+s18], $0x80, s8, s18, $0xb8;
	[tilespmem:$0x1EAA0] =	vst v63  }
0x33: {  	_ =	swait.ge [sflag:s16], $0x1400  }
0x34: {  	[sflag:s16] =	ssyncset.done $0x0  }
0x35: {  	s13 =	simm.s32 $0x15FB8;
	[sflag:s16] =	ssyncadd.s32 $0xFFFFEC00  }
0x36: {  	[spmem:s3] =	stream.indirect.scatter.add.f32 [tilespmem:s21], [sflag:$0x7], $0x80, s13, s18, $0xb8;
	[tilespmem:$0x1EAA0] =	vst v63  }
0x37: {  	_ =	swait.ge [sflag:s30], $0x1400  }
0x38: {  	[sflag:s30] =	ssyncset.done $0x0  }
0x39: {  	s8 =	simm.s32 $0x13948;
	[sflag:s30] =	ssyncadd.s32 $0xFFFFEC00  }
0x3a: {  	[tilespmem:s19], [sflag:$0x1] =	stream.indirect.gather [hbm4b:s1+s18], $0x80, s8, s18, $0xb8;
	[tilespmem:$0x1EAA0] =	vst v63  }
0x3b: {  	_ =	swait.ge [sflag:s17], $0x1400  }
0x3c: {  	[sflag:s17] =	ssyncset.done $0x0  }
0x3d: {  	s13 =	simm.s32 $0x15FE0;
	[sflag:s17] =	ssyncadd.s32 $0xFFFFEC00  }
0x3e: {  	[spmem:s3] =	stream.indirect.scatter.add.f32 [tilespmem:s23], [sflag:$0x8], $0x80, s13, s18, $0xb8;
	[tilespmem:$0x1EAA0] =	vst v63  }
0x3f: {  	_ =	swait.ge [sflag:s0], $0x1400  }
0x40: {  	[sflag:s0] =	ssyncset.done $0x0  }
0x41: {  	s8 =	simm.s32 $0x13970;
	[sflag:s0] =	ssyncadd.s32 $0xFFFFEC00  }
0x42: {  	[tilespmem:s21], [sflag:$0x2] =	stream.indirect.gather [hbm4b:s1+s18], $0x80, s8, s18, $0xb8;
	[tilespmem:$0x1EAA0] =	vst v63  }
0x43: {  	_ =	swait.ge [sflag:s22], $0x1400  }
0x44: {  	[sflag:s22] =	ssyncset.done $0x0  }
0x45: {  	s13 =	simm.s32 $0x16008;
	[sflag:s22] =	ssyncadd.s32 $0xFFFFEC00  }
0x46: {  	[spmem:s3] =	stream.indirect.scatter.add.f32 [tilespmem:s25], [sflag:$0x9], $0x80, s13, s18, $0xb8;
	[tilespmem:$0x1EAA0] =	vst v63  }
0x47: {  	_ =	swait.ge [sflag:s26], $0x1400  }
0x48: {  	[sflag:s26] =	ssyncset.done $0x0  }
0x49: {  	s8 =	simm.s32 $0x13998;
	[sflag:s26] =	ssyncadd.s32 $0xFFFFEC00  }
0x4a: {  	[tilespmem:s23], [sflag:$0x3] =	stream.indirect.gather [hbm4b:s1+s18], $0x80, s8, s18, $0xb8;
	[tilespmem:$0x1EAA0] =	vst v63  }
0x4b: {  	_ =	swait.ge [sflag:s31], $0x1400  }
0x4c: {  	[sflag:s31] =	ssyncset.done $0x0  }
0x4d: {  	s13 =	simm.s32 $0x16030;
	[sflag:s31] =	ssyncadd.s32 $0xFFFFEC00  }
0x4e: {  	[spmem:s3] =	stream.indirect.scatter.add.f32 [tilespmem:s28], [sflag:$0xA], $0x80, s13, s18, $0xb8;
	[tilespmem:$0x1EAA0] =	vst v63  }
0x4f: {  	_ =	swait.ge [sflag:s20], $0x1400  }
0x50: {  	[sflag:s20] =	ssyncset.done $0x0  }
0x51: {  	s8 =	simm.s32 $0x139C0;
	[sflag:s20] =	ssyncadd.s32 $0xFFFFEC00  }
0x52: {  	[tilespmem:s25], [sflag:$0x4] =	stream.indirect.gather [hbm4b:s1+s18], $0x80, s8, s18, $0xb8;
	[tilespmem:$0x1EAA0] =	vst v63  }
0x53: {  	_ =	swait.ge [sflag:s15], $0x1400  }
0x54: {  	[sflag:s15] =	ssyncset.done $0x0  }
0x55: {  	s13 =	simm.s32 $0x16058;
	[sflag:s15] =	ssyncadd.s32 $0xFFFFEC00  }
0x56: {  	[spmem:s3] =	stream.indirect.scatter.add.f32 [tilespmem:s19], [sflag:$0x6], $0x80, s13, s18, $0xb8;
	[tilespmem:$0x1EAA0] =	vst v63  }
0x57: {  	_ =	swait.ge [sflag:s29], $0x1400  }
0x58: {  	[sflag:s29] =	ssyncset.done $0x0  }
0x59: {  	s8 =	simm.s32 $0x139E8;
	[sflag:s29] =	ssyncadd.s32 $0xFFFFEC00  }
0x5a: {  	[tilespmem:s28], [sflag:$0x5] =	stream.indirect.gather [hbm4b:s1+s18], $0x80, s8, s18, $0xb8;
	[tilespmem:$0x1EAA0] =	vst v63  }
0x5b: {  	_ =	swait.ge [sflag:s16], $0x1400  }
0x5c: {  	[sflag:s16] =	ssyncset.done $0x0  }
0x5d: {  	s13 =	simm.s32 $0x16080;
	[sflag:s16] =	ssyncadd.s32 $0xFFFFEC00  }
0x5e: {  	[spmem:s3] =	stream.indirect.scatter.add.f32 [tilespmem:s21], [sflag:$0x7], $0x80, s13, s18, $0xb8;
	[tilespmem:$0x1EAA0] =	vst v63  }
0x5f: {  	_ =	swait.ge [sflag:s30], $0x1400  }
0x60: {  	[sflag:s30] =	ssyncset.done $0x0  }
0x61: {  	s8 =	simm.s32 $0x13A10;
	[sflag:s30] =	ssyncadd.s32 $0xFFFFEC00  }
0x62: {  	[tilespmem:s19], [sflag:$0x1] =	stream.indirect.gather [hbm4b:s1+s18], $0x80, s8, s18, $0xb8;
	[tilespmem:$0x1EAA0] =	vst v63  }
0x63: {  	_ =	swait.ge [sflag:s17], $0x1400  }
0x64: {  	[sflag:s17] =	ssyncset.done $0x0  }
0x65: {  	s13 =	simm.s32 $0x160A8;
	[sflag:s17] =	ssyncadd.s32 $0xFFFFEC00  }
0x66: {  	[spmem:s3] =	stream.indirect.scatter.add.f32 [tilespmem:s23], [sflag:$0x8], $0x80, s13, s18, $0xb8;
	[tilespmem:$0x1EAA0] =	vst v63  }
0x67: {  	_ =	swait.ge [sflag:s0], $0x1400  }
0x68: {  	[sflag:s0] =	ssyncset.done $0x0  }
0x69: {  	s8 =	simm.s32 $0x13A38;
	[sflag:s0] =	ssyncadd.s32 $0xFFFFEC00  }
0x6a: {  	[tilespmem:s21], [sflag:$0x2] =	stream.indirect.gather [hbm4b:s1+s18], $0x80, s8, s18, $0xb8;
	[tilespmem:$0x1EAA0] =	vst v63  }
0x6b: {  	_ =	swait.ge [sflag:s22], $0x1400  }
0x6c: {  	[sflag:s22] =	ssyncset.done $0x0  }
0x6d: {  	s13 =	simm.s32 $0x160D0;
	[sflag:s22] =	ssyncadd.s32 $0xFFFFEC00  }
0x6e: {  	[spmem:s3] =	stream.indirect.scatter.add.f32 [tilespmem:s25], [sflag:$0x9], $0x80, s13, s18, $0xb8;
	[tilespmem:$0x1EAA0] =	vst v63  }
0x6f: {  	_ =	swait.ge [sflag:s26], $0x1400  }
0x70: {  	[sflag:s26] =	ssyncset.done $0x0  }
0x71: {  	s8 =	simm.s32 $0x13A60;
	[sflag:s26] =	ssyncadd.s32 $0xFFFFEC00  }
0x72: {  	[tilespmem:s23], [sflag:$0x3] =	stream.indirect.gather [hbm4b:s1+s18], $0x80, s8, s18, $0xb8;
	[tilespmem:$0x1EAA0] =	vst v63  }
0x73: {  	_ =	swait.ge [sflag:s31], $0x1400  }
0x74: {  	[sflag:s31] =	ssyncset.done $0x0  }
0x75: {  	s13 =	simm.s32 $0x160F8;
	[sflag:s31] =	ssyncadd.s32 $0xFFFFEC00  }
0x76: {  	[spmem:s3] =	stream.indirect.scatter.add.f32 [tilespmem:s28], [sflag:$0xA], $0x80, s13, s18, $0xb8;
	[tilespmem:$0x1EAA0] =	vst v63  }
0x77: {  	_ =	swait.ge [sflag:s20], $0x1400  }
0x78: {  	[sflag:s20] =	ssyncset.done $0x0  }
0x79: {  	s5 =	simm.s32 $0x320;
	s13 =	simm.s32 $0x13A88;
	[sflag:s20] =	ssyncadd.s32 $0xFFFFEC00  }
.LBB2_2:
0x7a: {  	[tilespmem:s25], [sflag:$0x4] =	stream.indirect.gather [hbm4b:s1+s18], $0x80, s13, s18, $0xb8;
	[tilespmem:$0x1EAA0] =	vst v63  }
0x7b: {  	s13 =	smov.u32 s5;
	s5 =	sadd.s32 $0x320, s5;
	_ =	swait.ge [sflag:s15], $0x1400  }
0x7c: {  	s13 =	sshra.s32 s13, $0x2;
	p0 =	sne.s32 s5, $0x9600;
	[sflag:s15] =	ssyncset.done $0x0  }
0x7d: {  	s8 =	sadd.s32 $0x16058, s13;
	[sflag:s15] =	ssyncadd.s32 $0xFFFFEC00  }
0x7e: {  	[spmem:s3] =	stream.indirect.scatter.add.f32 [tilespmem:s19], [sflag:$0x6], $0x80, s8, s18, $0xb8;
	[tilespmem:$0x1EAA0] =	vst v63  }
0x7f: {  	_ =	swait.ge [sflag:s29], $0x1400  }
0x80: {  	[sflag:s29] =	ssyncset.done $0x0  }
0x81: {  	s8 =	sadd.s32 $0x139E8, s13;
	[sflag:s29] =	ssyncadd.s32 $0xFFFFEC00  }
0x82: {  	[tilespmem:s28], [sflag:$0x5] =	stream.indirect.gather [hbm4b:s1+s18], $0x80, s8, s18, $0xb8;
	[tilespmem:$0x1EAA0] =	vst v63  }
0x83: {  	_ =	swait.ge [sflag:s16], $0x1400  }
0x84: {  	[sflag:s16] =	ssyncset.done $0x0  }
0x85: {  	s8 =	sadd.s32 $0x16080, s13;
	[sflag:s16] =	ssyncadd.s32 $0xFFFFEC00  }
0x86: {  	[spmem:s3] =	stream.indirect.scatter.add.f32 [tilespmem:s21], [sflag:$0x7], $0x80, s8, s18, $0xb8;
	[tilespmem:$0x1EAA0] =	vst v63  }
0x87: {  	_ =	swait.ge [sflag:s30], $0x1400  }
0x88: {  	[sflag:s30] =	ssyncset.done $0x0  }
0x89: {  	s8 =	sadd.s32 $0x13A10, s13;
	[sflag:s30] =	ssyncadd.s32 $0xFFFFEC00  }
0x8a: {  	[tilespmem:s19], [sflag:$0x1] =	stream.indirect.gather [hbm4b:s1+s18], $0x80, s8, s18, $0xb8;
	[tilespmem:$0x1EAA0] =	vst v63  }
0x8b: {  	_ =	swait.ge [sflag:s17], $0x1400  }
0x8c: {  	[sflag:s17] =	ssyncset.done $0x0  }
0x8d: {  	s8 =	sadd.s32 $0x160A8, s13;
	[sflag:s17] =	ssyncadd.s32 $0xFFFFEC00  }
0x8e: {  	[spmem:s3] =	stream.indirect.scatter.add.f32 [tilespmem:s23], [sflag:$0x8], $0x80, s8, s18, $0xb8;
	[tilespmem:$0x1EAA0] =	vst v63  }
0x8f: {  	_ =	swait.ge [sflag:s0], $0x1400  }
0x90: {  	[sflag:s0] =	ssyncset.done $0x0  }
0x91: {  	s8 =	sadd.s32 $0x13A38, s13;
	[sflag:s0] =	ssyncadd.s32 $0xFFFFEC00  }
0x92: {  	[tilespmem:s21], [sflag:$0x2] =	stream.indirect.gather [hbm4b:s1+s18], $0x80, s8, s18, $0xb8;
	[tilespmem:$0x1EAA0] =	vst v63  }
0x93: {  	_ =	swait.ge [sflag:s22], $0x1400  }
0x94: {  	[sflag:s22] =	ssyncset.done $0x0  }
0x95: {  	s8 =	sadd.s32 $0x160D0, s13;
	[sflag:s22] =	ssyncadd.s32 $0xFFFFEC00  }
0x96: {  	[spmem:s3] =	stream.indirect.scatter.add.f32 [tilespmem:s25], [sflag:$0x9], $0x80, s8, s18, $0xb8;
	[tilespmem:$0x1EAA0] =	vst v63  }
0x97: {  	_ =	swait.ge [sflag:s26], $0x1400  }
0x98: {  	[sflag:s26] =	ssyncset.done $0x0  }
0x99: {  	s8 =	sadd.s32 $0x13A60, s13;
	[sflag:s26] =	ssyncadd.s32 $0xFFFFEC00  }
0x9a: {  	[tilespmem:s23], [sflag:$0x3] =	stream.indirect.gather [hbm4b:s1+s18], $0x80, s8, s18, $0xb8;
	[tilespmem:$0x1EAA0] =	vst v63  }
0x9b: {  	_ =	swait.ge [sflag:s31], $0x1400  }
0x9c: {  	[sflag:s31] =	ssyncset.done $0x0  }
.Ltmp0:
0x9d: {  	s8 =	sadd.s32 $0x160F8, s13;
	[sflag:s31] =	ssyncadd.s32 $0xFFFFEC00;
	(pc) =	sbr.rel @p0 .LBB2_2-.Ltmp0, $4  }
0x9e: {  	[spmem:s3] =	stream.indirect.scatter.add.f32 [tilespmem:s28], [sflag:$0xA], $0x80, s8, s18, $0xb8;
	[tilespmem:$0x1EAA0] =	vst v63  }
0x9f: {  	_ =	swait.ge [sflag:s20], $0x1400  }
0xa0: {  	[sflag:s20] =	ssyncset.done $0x0  }
0xa1: {  	s13 =	sadd.s32 $0x13A88, s13;
	[sflag:s20] =	ssyncadd.s32 $0xFFFFEC00  }
0xa2: {  	[tilespmem:s25], [sflag:$0x4] =	stream.indirect.gather [hbm4b:s1+s18], $0x80, s13, s18, $0xb8;
	[tilespmem:$0x1EAA0] =	vst v63  }
0xa3: {  	_ =	swait.ge [sflag:s15], $0x1400  }
0xa4: {  	s5 =	sshra.s32 s5, $0x2;
	[sflag:s15] =	ssyncset.done $0x0  }
0xa5: {  	s8 =	sadd.s32 $0x16058, s5;
	[sflag:s15] =	ssyncadd.s32 $0xFFFFEC00  }
0xa6: {  	[spmem:s3] =	stream.indirect.scatter.add.f32 [tilespmem:s19], [sflag:$0x6], $0x80, s8, s18, $0xb8;
	[tilespmem:$0x1EAA0] =	vst v63  }
0xa7: {  	_ =	swait.ge [sflag:s29], $0x1400  }
0xa8: {  	[sflag:s29] =	ssyncset.done $0x0  }
0xa9: {  	[sflag:s29] =	ssyncadd.s32 $0xFFFFEC00  }
0xaa: {  	[tilespmem:s28], [sflag:$0x5] =	stream.indirect.gather [hbm4b:s1+s18], $0x80, s2, s18, $0xb8;
	[tilespmem:$0x1EAA0] =	vst v63  }
0xab: {  	_ =	swait.ge [sflag:s16], $0x1400  }
0xac: {  	[sflag:s16] =	ssyncset.done $0x0  }
0xad: {  	s13 =	sadd.s32 $0x16080, s5;
	[sflag:s16] =	ssyncadd.s32 $0xFFFFEC00  }
0xae: {  	[spmem:s3] =	stream.indirect.scatter.add.f32 [tilespmem:s21], [sflag:$0x7], $0x80, s13, s18, $0xb8;
	[tilespmem:$0x1EAA0] =	vst v63  }
0xaf: {  	_ =	swait.ge [sflag:s30], $0x1400  }
0xb0: {  	[sflag:s30] =	ssyncset.done $0x0  }
0xb1: {  	[sflag:s30] =	ssyncadd.s32 $0xFFFFEC00  }
0xb2: {  	[tilespmem:s19], [sflag:$0x1] =	stream.indirect.gather [hbm4b:s1+s18], $0x80, s2, s18, $0xb8;
	[tilespmem:$0x1EAA0] =	vst v63  }
0xb3: {  	_ =	swait.ge [sflag:s17], $0x1400  }
0xb4: {  	[sflag:s17] =	ssyncset.done $0x0  }
0xb5: {  	s13 =	sadd.s32 $0x160A8, s5;
	[sflag:s17] =	ssyncadd.s32 $0xFFFFEC00  }
0xb6: {  	[spmem:s3] =	stream.indirect.scatter.add.f32 [tilespmem:s23], [sflag:$0x8], $0x80, s13, s18, $0xb8;
	[tilespmem:$0x1EAA0] =	vst v63  }
0xb7: {  	_ =	swait.ge [sflag:s0], $0x1400  }
0xb8: {  	[sflag:s0] =	ssyncset.done $0x0  }
0xb9: {  	[sflag:s0] =	ssyncadd.s32 $0xFFFFEC00  }
0xba: {  	[tilespmem:s21], [sflag:$0x2] =	stream.indirect.gather [hbm4b:s1+s18], $0x80, s2, s18, $0xb8;
	[tilespmem:$0x1EAA0] =	vst v63  }
0xbb: {  	_ =	swait.ge [sflag:s22], $0x1400  }
0xbc: {  	[sflag:s22] =	ssyncset.done $0x0  }
0xbd: {  	s5 =	sadd.s32 $0x160D0, s5;
	[sflag:s22] =	ssyncadd.s32 $0xFFFFEC00  }
0xbe: {  	[spmem:s3] =	stream.indirect.scatter.add.f32 [tilespmem:s25], [sflag:$0x9], $0x80, s5, s18, $0xb8;
	[tilespmem:$0x1EAA0] =	vst v63  }
0xbf: {  	_ =	swait.ge [sflag:s26], $0x1400  }
0xc0: {  	[sflag:s26] =	ssyncset.done $0x0  }
0xc1: {  	[sflag:s26] =	ssyncadd.s32 $0xFFFFEC00  }
0xc2: {  	[tilespmem:s23], [sflag:$0x3] =	stream.indirect.gather [hbm4b:s1+s18], $0x80, s2, s18, $0xb8;
	[tilespmem:$0x1EAA0] =	vst v63  }
0xc3: {  	_ =	swait.ge [sflag:s31], $0x1400  }
0xc4: {  	[sflag:s31] =	ssyncset.done $0x0  }
0xc5: {  	s8 =	simm.s32 $0x18678;
	[sflag:s31] =	ssyncadd.s32 $0xFFFFEC00  }
0xc6: {  	[spmem:s3] =	stream.indirect.scatter.add.f32 [tilespmem:s28], [sflag:$0xA], $0x80, s8, s18, $0xb8;
	[tilespmem:$0x1EAA0] =	vst v63  }
0xc7: {  	_ =	swait.ge [sflag:s20], $0x1400  }
0xc8: {  	[sflag:s20] =	ssyncset.done $0x0  }
0xc9: {  	[sflag:s20] =	ssyncadd.s32 $0xFFFFEC00  }
0xca: {  	[tilespmem:s25], [sflag:$0x4] =	stream.indirect.gather [hbm4b:s1+s18], $0x80, s2, s18, $0xb8;
	[tilespmem:$0x1EAA0] =	vst v63  }
0xcb: {  	_ =	swait.ge [sflag:s15], $0x1400  }
0xcc: {  	[sflag:s15] =	ssyncset.done $0x0  }
0xcd: {  	[sflag:s15] =	ssyncadd.s32 $0xFFFFEC00  }
0xce: {  	_ =	swait.ge [sflag:s16], $0x1400  }
0xcf: {  	[sflag:s16] =	ssyncset.done $0x0  }
0xd0: {  	[sflag:s16] =	ssyncadd.s32 $0xFFFFEC00  }
0xd1: {  	_ =	swait.ge [sflag:s17], $0x1400  }
0xd2: {  	[sflag:s17] =	ssyncset.done $0x0  }
0xd3: {  	[sflag:s17] =	ssyncadd.s32 $0xFFFFEC00  }
0xd4: {  	_ =	swait.ge [sflag:s22], $0x1400  }
0xd5: {  	[sflag:s22] =	ssyncset.done $0x0  }
0xd6: {  	[sflag:s22] =	ssyncadd.s32 $0xFFFFEC00  }
0xd7: {  	_ =	swait.ge [sflag:s29], $0x1400  }
0xd8: {  	s4 =	sadd.s32 $0x1, s4;
	[sflag:s29] =	ssyncset.done $0x0  }
0xd9: {  	p0 =	sne.s32 s4, s11;
	[sflag:s29] =	ssyncadd.s32 $0xFFFFEC00  }
.Ltmp1:
0xda: {  	s13 =	sor.u32 $0x1C0B, s6;
	[bflag:$0x0] =	sbarrier.arrive $0xFFFF;
	(pc) =	sbr.rel @p0 .LBB2_1-.Ltmp1, $4  }
0xdb: {  	[hbm:s10], [sflag:s13] =	dma.local [spmem:s12], $0x2710  }
0xdc: {  	_ =	swait.ge [sflag:s24], $0x2710  }
0xdd: {  	[sflag:s24] =	ssyncset.done $0x0  }
0xde: {  	[sflag:s24] =	ssyncadd.s32 $0xFFFFD8F0  }
0xdf: {  	_ =	sfence.sel $0x180000  }
0xe0: {  	[bflag:$0x0] =	sbarrier.arrive $0xFFFF  }
0xe1: {  	_ =	strace $0x90000047  }
0xe2: {  	s0 =	stileid.u32;
	[bflag:$0x2] =	sbarrier.arrive $0xFFFF  }
0xe3: {  	p0 =	sne.s32 s0, $0x0;
	s0 =	rddreg [dreg:$0x4]  }
0xe4: {  	s0 =	sadd.s32 @!p0 $0x100000, s0  }
0xe5: {  	[sflag:s0] =	ssyncadd.tile.s32 @!p0 $0x1;
	_ =	shalt  }
.Lfunc_end2:
_tile_overlayer_lowered:
.L_overlay_start_2:
0xe6: {  	(tag) =	ssettag $0x2  }
0xe7: {  	s0 =	rddreg [dreg:$0x0];
	s2 =	stileid.u32  }
0xe8: {  	s1 =	rddreg [dreg:$0x1];
	p0 =	sne.s32 s2, $0x0  }
0xe9: {  	s3 =	rddreg [dreg:$0x2];
	[bflag:$0x3] =	sbarrier.arrive $0xFFFF;
	s2 =	simm.s32 @!p0 $0x1C0B  }
0xea: {  	[timem:s3], [sflag:s2] =	dma.local @!p0 [hbm:s0], s1  }
0xeb: {  	s0 =	simm.s32 @!p0 $0xB  }
0xec: {  	_ =	swait.ge @!p0 [sflag:s0], s1  }
0xed: {  	s1 =	ssub.s32 @!p0 $0x0, s1;
	[sflag:s0] =	ssyncset.done @!p0 $0x0  }
0xee: {  	[sflag:s0] =	ssyncadd.s32 @!p0 s1  }
0xef: {  	[bflag:$0x3] =	sbarrier.arrive $0xFFFF  }
0xf0: {  	_ =	shalt  }

</sc_bundles>
